<compile_context>
chip_gen: v7x
topology: tpu7x:2x2x1
jax: 0.10.2.dev20260603
libtpu: 0.0.44.dev20260713+nightly
codegen_flags: <defaults>
</compile_context>

<pallas_src>
import functools

import jax
import jax.numpy as jnp
from jax import lax
from jax.experimental import pallas as pl
from jax.experimental.pallas import tpu as pltpu
from jax.experimental.pallas import tpu_sc as plsc

N_NODES = 10000
D = 128
DH = 64
NC = 2
NS = 16
CHUNK = 200
CHUNKS_PER_T = 100
WCH = 20
NWIN = CHUNKS_PER_T // WCH
NBUF = 4
ROWS_PER_TILE = N_NODES // NS
DST_BASE = NS * CHUNKS_PER_T

_sc_mesh = plsc.VectorSubcoreMesh(core_axis_name="c", subcore_axis_name="s")


@functools.partial(
    pl.kernel,
    out_type=(jax.ShapeDtypeStruct((N_NODES, D), jnp.float32),
              jax.ShapeDtypeStruct((NC, N_NODES, DH), jnp.float32)),
    mesh=_sc_mesh,
    scratch_types=[
        pltpu.VMEM_SHARED((N_NODES, DH), jnp.float32),
        pltpu.VMEM((CHUNKS_PER_T, CHUNK), jnp.int32),
        pltpu.VMEM((WCH, CHUNK), jnp.int32),
        [pltpu.VMEM((CHUNK, DH), jnp.float32) for _ in range(NBUF)],
        [pltpu.SemaphoreType.DMA for _ in range(NBUF)],
        [pltpu.SemaphoreType.DMA for _ in range(NBUF)],
    ],
    compiler_params=pltpu.CompilerParams(use_tc_tiling_on_sc=False),
)
def _sc_aggregate(x_hbm, ei_hbm, zeros_hbm, agg_out, xs_hbm,
                  agg_sh, src_v, dst_v, rows, sems, ssems):
    c = lax.axis_index("c")
    s = lax.axis_index("s")
    xsc = xs_hbm.at[c]
    stripe = pl.ds(s * ROWS_PER_TILE, ROWS_PER_TILE)

    pltpu.sync_copy(x_hbm.at[stripe, pl.ds(c * DH, DH)], agg_sh.at[stripe])
    pltpu.sync_copy(agg_sh.at[stripe], xsc.at[stripe])
    pltpu.sync_copy(zeros_hbm.at[stripe], agg_sh.at[stripe])
    pltpu.sync_copy(ei_hbm.at[pl.ds(s * CHUNKS_PER_T, CHUNKS_PER_T)], src_v)
    plsc.subcore_barrier()

    def gwait(buf, sem):
        pltpu.make_async_copy(xsc.at[src_v.at[0]], buf, sem).wait()

    def swait(buf, sem):
        pltpu.make_async_copy(buf, agg_sh.at[dst_v.at[0]], sem).wait()

    for k in range(NBUF):
        pltpu.async_copy(xsc.at[src_v.at[k]], rows[k], sems[k])

    def window(win, carry):
        @pl.when(win > 0)
        def _():
            swait(rows[NBUF - 1], ssems[NBUF - 1])
            pltpu.async_copy(xsc.at[src_v.at[win * WCH + NBUF - 1]],
                             rows[NBUF - 1], sems[NBUF - 1])

        pltpu.sync_copy(
            ei_hbm.at[pl.ds(DST_BASE + s * CHUNKS_PER_T + win * WCH, WCH)],
            dst_v)

        def quad(q, c2):
            j = win * WCH + NBUF * q
            for k in range(NBUF):
                t = j + k
                gwait(rows[k], sems[k])
                pltpu.async_copy(rows[k], agg_sh.at[dst_v.at[NBUF * q + k]],
                                 ssems[k], add=True)
                if k == 0:
                    @pl.when(q > 0)
                    def _():
                        swait(rows[NBUF - 1], ssems[NBUF - 1])
                        pltpu.async_copy(xsc.at[src_v.at[t + NBUF - 1]],
                                         rows[NBUF - 1], sems[NBUF - 1])
                else:
                    swait(rows[k - 1], ssems[k - 1])

                    @pl.when(t + NBUF - 1 < CHUNKS_PER_T)
                    def _():
                        pltpu.async_copy(xsc.at[src_v.at[t + NBUF - 1]],
                                         rows[k - 1], sems[k - 1])

            return c2

        lax.fori_loop(0, WCH // NBUF, quad, carry, unroll=False)
        return carry

    lax.fori_loop(0, NWIN, window, 0, unroll=False)
    swait(rows[(CHUNKS_PER_T - 1) % NBUF], ssems[(CHUNKS_PER_T - 1) % NBUF])

    plsc.subcore_barrier()
    pltpu.sync_copy(agg_sh.at[stripe],
                    agg_out.at[stripe, pl.ds(c * DH, DH)])


def _tc_body(x_ref, a_ref, wxt_ref, wat_ref, b_ref, o_ref):
    acc = jnp.dot(x_ref[...], wxt_ref[...],
                  preferred_element_type=jnp.float32)
    acc = acc + jnp.dot(a_ref[...], wat_ref[...],
                        preferred_element_type=jnp.float32)
    acc = acc + b_ref[...]
    acc = jnp.maximum(acc, 0.0)
    ss = jnp.sum(acc * acc, axis=1, keepdims=True)
    o_ref[...] = acc * lax.rsqrt(jnp.maximum(ss, 1e-24))


BN = 2000


def _tc_dense(x, agg, wxt, wat, b2):
    return pl.pallas_call(
        _tc_body,
        grid=(N_NODES // BN,),
        in_specs=[
            pl.BlockSpec((BN, D), lambda i: (i, 0)),
            pl.BlockSpec((BN, D), lambda i: (i, 0)),
            pl.BlockSpec((D, D), lambda i: (0, 0)),
            pl.BlockSpec((D, D), lambda i: (0, 0)),
            pl.BlockSpec((1, D), lambda i: (0, 0)),
        ],
        out_specs=pl.BlockSpec((BN, D), lambda i: (i, 0)),
        out_shape=jax.ShapeDtypeStruct((N_NODES, D), jnp.float32),
    )(x, agg, wxt, wat, b2)


def kernel(x, edge_index, W, b):
    x = x.astype(jnp.float32)
    ei2 = edge_index.astype(jnp.int32).reshape(2 * NS * CHUNKS_PER_T, CHUNK)
    zeros = jnp.zeros((N_NODES, DH), jnp.float32)

    agg, _ = _sc_aggregate(x, ei2, zeros)

    wxt = W[:, :D].T
    wat = W[:, D:].T
    b2 = b.reshape(1, D)
    return _tc_dense(x, agg, wxt, wat, b2)

# --- scband reference (transcript-rebuilt; emitter-appended) ---
"""Pipeline reference for scband-sage-layer-50972671869032 (READ-ONLY COPY).

The authoritative reference and input builder live on the scoring server;
editing this copy changes nothing except your own understanding.
"""

import jax, jax.numpy as jnp
import numpy as np

N_NODES = 10000
N_EDGES = 320000
D_IN = 128
D_OUT = 128


def setup_inputs(seed: int = 0) -> dict:
    key = jax.random.key(seed)
    k_x, k_ei, k_w, k_b = jax.random.split(key, 4)
    x = jax.random.normal(k_x, (N_NODES, D_IN), dtype=jnp.float32)
    edge_index = jax.random.randint(k_ei, (2, N_EDGES), 0, N_NODES, dtype=jnp.int64)
    # nn.Linear(2*in_feature, out_feature): weight [out, 2*in], bias [out]
    bound = 1.0 / np.sqrt(2 * D_IN)
    W = jax.random.uniform(k_w, (D_OUT, 2 * D_IN), dtype=jnp.float32, minval=-bound, maxval=bound)
    b = jax.random.uniform(k_b, (D_OUT,), dtype=jnp.float32, minval=-bound, maxval=bound)
    return {"x": x, "edge_index": edge_index, "W": W, "b": b}


def reference(x, edge_index, W, b):
    src = edge_index[0]
    dst = edge_index[1]
    # scatter_add: sum features of source nodes into destination rows
    gathered = jnp.take(x, src, axis=0)  # [E, D_IN]
    agg = jnp.zeros((x.shape[0], x.shape[1]), dtype=x.dtype).at[dst].add(gathered)
    concat = jnp.concatenate([x, agg], axis=1)  # [N, 2*D_IN]
    proj = concat @ W.T + b
    proj = jax.nn.relu(proj)
    # F.normalize(p=2, dim=-1): x / clamp_min(||x||_2, eps)
    norm = jnp.linalg.norm(proj, ord=2, axis=-1, keepdims=True)
    norm = jnp.maximum(norm, 1e-12)
    return proj / norm

if __name__ == "__main__":
    import jax
    _d = setup_inputs()
    print(jax.jit(kernel)(*tuple(_d.values())))

</pallas_src>

<mosaic_0001>
#map = affine_map<(d0, d1) -> (0, 0)>
#map1 = affine_map<(d0, d1) -> (0, 0, 0)>
module attributes {stable_mosaic.version = 14 : i64} {
  func.func @_sc_aggregate(%arg0: i32, %arg1: i32, %arg2: memref<10000x128xf32, #tpu.memory_space<hbm>>, %arg3: memref<3200x200xi32, #tpu.memory_space<hbm>>, %arg4: memref<10000x64xf32, #tpu.memory_space<hbm>>, %arg5: memref<10000x128xf32, #tpu.memory_space<hbm>>, %arg6: memref<2x10000x64xf32, #tpu.memory_space<hbm>>, %arg7: memref<10000x64xf32, #tpu.memory_space<vmem_shared>>, %arg8: memref<100x200xi32, #tpu.memory_space<vmem>>, %arg9: memref<20x200xi32, #tpu.memory_space<vmem>>, %arg10: memref<200x64xf32, #tpu.memory_space<vmem>>, %arg11: memref<200x64xf32, #tpu.memory_space<vmem>>, %arg12: memref<200x64xf32, #tpu.memory_space<vmem>>, %arg13: memref<200x64xf32, #tpu.memory_space<vmem>>, %arg14: memref<!tpu.dma_semaphore, #tpu.memory_space<semaphore_mem>>, %arg15: memref<!tpu.dma_semaphore, #tpu.memory_space<semaphore_mem>>, %arg16: memref<!tpu.dma_semaphore, #tpu.memory_space<semaphore_mem>>, %arg17: memref<!tpu.dma_semaphore, #tpu.memory_space<semaphore_mem>>, %arg18: memref<!tpu.dma_semaphore, #tpu.memory_space<semaphore_mem>>, %arg19: memref<!tpu.dma_semaphore, #tpu.memory_space<semaphore_mem>>, %arg20: memref<!tpu.dma_semaphore, #tpu.memory_space<semaphore_mem>>, %arg21: memref<!tpu.dma_semaphore, #tpu.memory_space<semaphore_mem>>) attributes {dimension_semantics = [#tpu.dimension_semantics<core_parallel>, #tpu.dimension_semantics<subcore_parallel>], iteration_bounds = array<i64: 2, 16>, scalar_prefetch = 0 : i64, scratch_operands = 15 : i64, tpu.core_type = #tpu.core_type<sc_vector_subcore>, window_params = [{transform_indices = #map}, {transform_indices = #map}, {transform_indices = #map}, {transform_indices = #map}, {transform_indices = #map1}]} {
    %mul3A = arith.constant 625 : i32
    %mul3A_0 = arith.muli %arg1, %mul3A : i32
    %mul3A_1 = arith.constant 64 : i32
    %mul3A_2 = arith.muli %arg0, %mul3A_1 : i32
    "tpu.region"() ({
      %run_scoped3A = tpu.sem_alloc : memref<!tpu.dma_semaphore, #tpu.memory_space<semaphore_mem>>
      %dma_start3A_62 = arith.constant 0 : i32
      %dma_start3A_63 = tpu.memref_slice %arg7[%mul3A_0, %dma_start3A_62] : memref<10000x64xf32, #tpu.memory_space<vmem_shared>> -> memref<625x64xf32, #tpu.memory_space<vmem_shared>>
      %dma_start3A_64 = tpu.memref_slice %arg2[%mul3A_0, %mul3A_2] : memref<10000x128xf32, #tpu.memory_space<hbm>> -> memref<625x64xf32, #tpu.memory_space<hbm>>
      tpu.enqueue_dma source(%dma_start3A_64 : memref<625x64xf32, #tpu.memory_space<hbm>>) target(%dma_start3A_63 : memref<625x64xf32, #tpu.memory_space<vmem_shared>>) target_semaphore(%run_scoped3A : memref<!tpu.dma_semaphore, #tpu.memory_space<semaphore_mem>>)
      %dma_wait3A_65 = arith.constant 0 : i32
      %dma_wait3A_66 = tpu.memref_slice %arg7[%mul3A_0, %dma_wait3A_65] : memref<10000x64xf32, #tpu.memory_space<vmem_shared>> -> memref<625x64xf32, #tpu.memory_space<vmem_shared>>
      %dma_wait3A_67 = tpu.memref_slice %arg2[%mul3A_0, %mul3A_2] : memref<10000x128xf32, #tpu.memory_space<hbm>> -> memref<625x64xf32, #tpu.memory_space<hbm>>
      tpu.wait_dma2 semaphore(%run_scoped3A : memref<!tpu.dma_semaphore, #tpu.memory_space<semaphore_mem>>) src(%dma_wait3A_67 : memref<625x64xf32, #tpu.memory_space<hbm>>) dst(%dma_wait3A_66 : memref<625x64xf32, #tpu.memory_space<vmem_shared>>)
      tpu.yield
    }) : () -> ()
    "tpu.region"() ({
      %run_scoped3A = tpu.sem_alloc : memref<!tpu.dma_semaphore, #tpu.memory_space<semaphore_mem>>
      %dma_start3A_62 = arith.constant 0 : i32
      %dma_start3A_63 = arith.constant 0 : i32
      %dma_start3A_64 = tpu.memref_slice %arg6[%arg0, %dma_start3A_62, %dma_start3A_63] : memref<2x10000x64xf32, #tpu.memory_space<hbm>> -> memref<1x10000x64xf32, #tpu.memory_space<hbm>>
      %dma_start3A_65 = tpu.memref_squeeze %dma_start3A_64 : memref<1x10000x64xf32, #tpu.memory_space<hbm>> -> memref<10000x64xf32, #tpu.memory_space<hbm>>
      %dma_start3A_66 = arith.constant 0 : i32
      %dma_start3A_67 = tpu.memref_slice %dma_start3A_65[%mul3A_0, %dma_start3A_66] : memref<10000x64xf32, #tpu.memory_space<hbm>> -> memref<625x64xf32, #tpu.memory_space<hbm>>
      %dma_start3A_68 = arith.constant 0 : i32
      %dma_start3A_69 = tpu.memref_slice %arg7[%mul3A_0, %dma_start3A_68] : memref<10000x64xf32, #tpu.memory_space<vmem_shared>> -> memref<625x64xf32, #tpu.memory_space<vmem_shared>>
      tpu.enqueue_dma source(%dma_start3A_69 : memref<625x64xf32, #tpu.memory_space<vmem_shared>>) target(%dma_start3A_67 : memref<625x64xf32, #tpu.memory_space<hbm>>) target_semaphore(%run_scoped3A : memref<!tpu.dma_semaphore, #tpu.memory_space<semaphore_mem>>)
      %dma_wait3A_70 = arith.constant 0 : i32
      %dma_wait3A_71 = arith.constant 0 : i32
      %dma_wait3A_72 = tpu.memref_slice %arg6[%arg0, %dma_wait3A_70, %dma_wait3A_71] : memref<2x10000x64xf32, #tpu.memory_space<hbm>> -> memref<1x10000x64xf32, #tpu.memory_space<hbm>>
      %dma_wait3A_73 = tpu.memref_squeeze %dma_wait3A_72 : memref<1x10000x64xf32, #tpu.memory_space<hbm>> -> memref<10000x64xf32, #tpu.memory_space<hbm>>
      %dma_wait3A_74 = arith.constant 0 : i32
      %dma_wait3A_75 = tpu.memref_slice %dma_wait3A_73[%mul3A_0, %dma_wait3A_74] : memref<10000x64xf32, #tpu.memory_space<hbm>> -> memref<625x64xf32, #tpu.memory_space<hbm>>
      %dma_wait3A_76 = arith.constant 0 : i32
      %dma_wait3A_77 = tpu.memref_slice %arg7[%mul3A_0, %dma_wait3A_76] : memref<10000x64xf32, #tpu.memory_space<vmem_shared>> -> memref<625x64xf32, #tpu.memory_space<vmem_shared>>
      tpu.wait_dma2 semaphore(%run_scoped3A : memref<!tpu.dma_semaphore, #tpu.memory_space<semaphore_mem>>) src(%dma_wait3A_77 : memref<625x64xf32, #tpu.memory_space<vmem_shared>>) dst(%dma_wait3A_75 : memref<625x64xf32, #tpu.memory_space<hbm>>)
      tpu.yield
    }) : () -> ()
    "tpu.region"() ({
      %run_scoped3A = tpu.sem_alloc : memref<!tpu.dma_semaphore, #tpu.memory_space<semaphore_mem>>
      %dma_start3A_62 = arith.constant 0 : i32
      %dma_start3A_63 = tpu.memref_slice %arg7[%mul3A_0, %dma_start3A_62] : memref<10000x64xf32, #tpu.memory_space<vmem_shared>> -> memref<625x64xf32, #tpu.memory_space<vmem_shared>>
      %dma_start3A_64 = arith.constant 0 : i32
      %dma_start3A_65 = tpu.memref_slice %arg4[%mul3A_0, %dma_start3A_64] : memref<10000x64xf32, #tpu.memory_space<hbm>> -> memref<625x64xf32, #tpu.memory_space<hbm>>
      tpu.enqueue_dma source(%dma_start3A_65 : memref<625x64xf32, #tpu.memory_space<hbm>>) target(%dma_start3A_63 : memref<625x64xf32, #tpu.memory_space<vmem_shared>>) target_semaphore(%run_scoped3A : memref<!tpu.dma_semaphore, #tpu.memory_space<semaphore_mem>>)
      %dma_wait3A_66 = arith.constant 0 : i32
      %dma_wait3A_67 = tpu.memref_slice %arg7[%mul3A_0, %dma_wait3A_66] : memref<10000x64xf32, #tpu.memory_space<vmem_shared>> -> memref<625x64xf32, #tpu.memory_space<vmem_shared>>
      %dma_wait3A_68 = arith.constant 0 : i32
      %dma_wait3A_69 = tpu.memref_slice %arg4[%mul3A_0, %dma_wait3A_68] : memref<10000x64xf32, #tpu.memory_space<hbm>> -> memref<625x64xf32, #tpu.memory_space<hbm>>
      tpu.wait_dma2 semaphore(%run_scoped3A : memref<!tpu.dma_semaphore, #tpu.memory_space<semaphore_mem>>) src(%dma_wait3A_69 : memref<625x64xf32, #tpu.memory_space<hbm>>) dst(%dma_wait3A_67 : memref<625x64xf32, #tpu.memory_space<vmem_shared>>)
      tpu.yield
    }) : () -> ()
    %mul3A_3 = arith.constant 100 : i32
    %mul3A_4 = arith.muli %arg1, %mul3A_3 : i32
    "tpu.region"() ({
      %run_scoped3A = tpu.sem_alloc : memref<!tpu.dma_semaphore, #tpu.memory_space<semaphore_mem>>
      %dma_start3A_62 = arith.constant 0 : i32
      %dma_start3A_63 = tpu.memref_slice %arg3[%mul3A_4, %dma_start3A_62] : memref<3200x200xi32, #tpu.memory_space<hbm>> -> memref<100x200xi32, #tpu.memory_space<hbm>>
      %dma_start3A_64 = arith.constant 0 : i32
      %dma_start3A_65 = tpu.memref_slice %arg3[%mul3A_4, %dma_start3A_64] : memref<3200x200xi32, #tpu.memory_space<hbm>> -> memref<100x200xi32, #tpu.memory_space<hbm>>
      tpu.enqueue_dma source(%dma_start3A_65 : memref<100x200xi32, #tpu.memory_space<hbm>>) target(%arg8 : memref<100x200xi32, #tpu.memory_space<vmem>>) target_semaphore(%run_scoped3A : memref<!tpu.dma_semaphore, #tpu.memory_space<semaphore_mem>>)
      %dma_wait3A_66 = arith.constant 0 : i32
      %dma_wait3A_67 = tpu.memref_slice %arg3[%mul3A_4, %dma_wait3A_66] : memref<3200x200xi32, #tpu.memory_space<hbm>> -> memref<100x200xi32, #tpu.memory_space<hbm>>
      %dma_wait3A_68 = arith.constant 0 : i32
      %dma_wait3A_69 = tpu.memref_slice %arg3[%mul3A_4, %dma_wait3A_68] : memref<3200x200xi32, #tpu.memory_space<hbm>> -> memref<100x200xi32, #tpu.memory_space<hbm>>
      tpu.wait_dma2 semaphore(%run_scoped3A : memref<!tpu.dma_semaphore, #tpu.memory_space<semaphore_mem>>) src(%dma_wait3A_69 : memref<100x200xi32, #tpu.memory_space<hbm>>) dst(%arg8 : memref<100x200xi32, #tpu.memory_space<vmem>>)
      tpu.yield
    }) : () -> ()
    %barrier3A = arith.constant 0 : index
    tpu.barrier barrier_id(%barrier3A)
    %dma_start3A = arith.constant 0 : i32
    %dma_start3A_5 = arith.constant 0 : i32
    %dma_start3A_6 = tpu.memref_slice %arg8[%dma_start3A, %dma_start3A_5] : memref<100x200xi32, #tpu.memory_space<vmem>> -> memref<1x200xi32, #tpu.memory_space<vmem>>
    %dma_start3A_7 = tpu.memref_squeeze %dma_start3A_6 : memref<1x200xi32, #tpu.memory_space<vmem>> -> memref<200xi32, #tpu.memory_space<vmem>>
    %dma_start3A_8 = arith.constant 0 : i32
    %dma_start3A_9 = arith.constant 0 : i32
    %dma_start3A_10 = tpu.memref_slice %arg6[%arg0, %dma_start3A_8, %dma_start3A_9] : memref<2x10000x64xf32, #tpu.memory_space<hbm>> -> memref<1x10000x64xf32, #tpu.memory_space<hbm>>
    %dma_start3A_11 = tpu.memref_squeeze %dma_start3A_10 : memref<1x10000x64xf32, #tpu.memory_space<hbm>> -> memref<10000x64xf32, #tpu.memory_space<hbm>>
    %dma_start3A_12 = arith.constant 0 : i32
    %dma_start3A_13 = arith.constant 0 : i32
    %dma_start3A_14 = tpu.memref_slice %dma_start3A_11[%dma_start3A_12, %dma_start3A_13] : memref<10000x64xf32, #tpu.memory_space<hbm>> -> memref<10000x64xf32, #tpu.memory_space<hbm>>
    tpu.enqueue_indirect_dma source(%dma_start3A_14 : memref<10000x64xf32, #tpu.memory_space<hbm>>) target(%arg10 : memref<200x64xf32, #tpu.memory_space<vmem>>) offsets(%dma_start3A_7 : memref<200xi32, #tpu.memory_space<vmem>>) semaphore(%arg14 : memref<!tpu.dma_semaphore, #tpu.memory_space<semaphore_mem>>)
    %dma_start3A_15 = arith.constant 1 : i32
    %dma_start3A_16 = arith.constant 0 : i32
    %dma_start3A_17 = tpu.memref_slice %arg8[%dma_start3A_15, %dma_start3A_16] : memref<100x200xi32, #tpu.memory_space<vmem>> -> memref<1x200xi32, #tpu.memory_space<vmem>>
    %dma_start3A_18 = tpu.memref_squeeze %dma_start3A_17 : memref<1x200xi32, #tpu.memory_space<vmem>> -> memref<200xi32, #tpu.memory_space<vmem>>
    %dma_start3A_19 = arith.constant 0 : i32
    %dma_start3A_20 = arith.constant 0 : i32
    %dma_start3A_21 = tpu.memref_slice %arg6[%arg0, %dma_start3A_19, %dma_start3A_20] : memref<2x10000x64xf32, #tpu.memory_space<hbm>> -> memref<1x10000x64xf32, #tpu.memory_space<hbm>>
    %dma_start3A_22 = tpu.memref_squeeze %dma_start3A_21 : memref<1x10000x64xf32, #tpu.memory_space<hbm>> -> memref<10000x64xf32, #tpu.memory_space<hbm>>
    %dma_start3A_23 = arith.constant 0 : i32
    %dma_start3A_24 = arith.constant 0 : i32
    %dma_start3A_25 = tpu.memref_slice %dma_start3A_22[%dma_start3A_23, %dma_start3A_24] : memref<10000x64xf32, #tpu.memory_space<hbm>> -> memref<10000x64xf32, #tpu.memory_space<hbm>>
    tpu.enqueue_indirect_dma source(%dma_start3A_25 : memref<10000x64xf32, #tpu.memory_space<hbm>>) target(%arg11 : memref<200x64xf32, #tpu.memory_space<vmem>>) offsets(%dma_start3A_18 : memref<200xi32, #tpu.memory_space<vmem>>) semaphore(%arg15 : memref<!tpu.dma_semaphore, #tpu.memory_space<semaphore_mem>>)
    %dma_start3A_26 = arith.constant 2 : i32
    %dma_start3A_27 = arith.constant 0 : i32
    %dma_start3A_28 = tpu.memref_slice %arg8[%dma_start3A_26, %dma_start3A_27] : memref<100x200xi32, #tpu.memory_space<vmem>> -> memref<1x200xi32, #tpu.memory_space<vmem>>
    %dma_start3A_29 = tpu.memref_squeeze %dma_start3A_28 : memref<1x200xi32, #tpu.memory_space<vmem>> -> memref<200xi32, #tpu.memory_space<vmem>>
    %dma_start3A_30 = arith.constant 0 : i32
    %dma_start3A_31 = arith.constant 0 : i32
    %dma_start3A_32 = tpu.memref_slice %arg6[%arg0, %dma_start3A_30, %dma_start3A_31] : memref<2x10000x64xf32, #tpu.memory_space<hbm>> -> memref<1x10000x64xf32, #tpu.memory_space<hbm>>
    %dma_start3A_33 = tpu.memref_squeeze %dma_start3A_32 : memref<1x10000x64xf32, #tpu.memory_space<hbm>> -> memref<10000x64xf32, #tpu.memory_space<hbm>>
    %dma_start3A_34 = arith.constant 0 : i32
    %dma_start3A_35 = arith.constant 0 : i32
    %dma_start3A_36 = tpu.memref_slice %dma_start3A_33[%dma_start3A_34, %dma_start3A_35] : memref<10000x64xf32, #tpu.memory_space<hbm>> -> memref<10000x64xf32, #tpu.memory_space<hbm>>
    tpu.enqueue_indirect_dma source(%dma_start3A_36 : memref<10000x64xf32, #tpu.memory_space<hbm>>) target(%arg12 : memref<200x64xf32, #tpu.memory_space<vmem>>) offsets(%dma_start3A_29 : memref<200xi32, #tpu.memory_space<vmem>>) semaphore(%arg16 : memref<!tpu.dma_semaphore, #tpu.memory_space<semaphore_mem>>)
    %dma_start3A_37 = arith.constant 3 : i32
    %dma_start3A_38 = arith.constant 0 : i32
    %dma_start3A_39 = tpu.memref_slice %arg8[%dma_start3A_37, %dma_start3A_38] : memref<100x200xi32, #tpu.memory_space<vmem>> -> memref<1x200xi32, #tpu.memory_space<vmem>>
    %dma_start3A_40 = tpu.memref_squeeze %dma_start3A_39 : memref<1x200xi32, #tpu.memory_space<vmem>> -> memref<200xi32, #tpu.memory_space<vmem>>
    %dma_start3A_41 = arith.constant 0 : i32
    %dma_start3A_42 = arith.constant 0 : i32
    %dma_start3A_43 = tpu.memref_slice %arg6[%arg0, %dma_start3A_41, %dma_start3A_42] : memref<2x10000x64xf32, #tpu.memory_space<hbm>> -> memref<1x10000x64xf32, #tpu.memory_space<hbm>>
    %dma_start3A_44 = tpu.memref_squeeze %dma_start3A_43 : memref<1x10000x64xf32, #tpu.memory_space<hbm>> -> memref<10000x64xf32, #tpu.memory_space<hbm>>
    %dma_start3A_45 = arith.constant 0 : i32
    %dma_start3A_46 = arith.constant 0 : i32
    %dma_start3A_47 = tpu.memref_slice %dma_start3A_44[%dma_start3A_45, %dma_start3A_46] : memref<10000x64xf32, #tpu.memory_space<hbm>> -> memref<10000x64xf32, #tpu.memory_space<hbm>>
    tpu.enqueue_indirect_dma source(%dma_start3A_47 : memref<10000x64xf32, #tpu.memory_space<hbm>>) target(%arg13 : memref<200x64xf32, #tpu.memory_space<vmem>>) offsets(%dma_start3A_40 : memref<200xi32, #tpu.memory_space<vmem>>) semaphore(%arg17 : memref<!tpu.dma_semaphore, #tpu.memory_space<semaphore_mem>>)
    %scan3A = arith.constant 0 : i32
    %scan3A_48 = arith.constant 0 : i32
    %scan3A_49 = arith.constant 5 : i32
    %scan3A_50 = arith.addi %scan3A_48, %scan3A_49 : i32
    %scan3A_51 = arith.constant 1 : i32
    scf.for %scan3A_62 = %scan3A_48 to %scan3A_50 step %scan3A_51  : i32 {
      %gt3A = arith.constant 0 : i32
      %gt3A_63 = arith.cmpi sgt, %scan3A_62, %gt3A : i32
      %convert_element_type3A = arith.extui %gt3A_63 : i1 to i32
      %cond3A = arith.constant 0 : i32
      %cond3A_64 = arith.cmpi ne, %convert_element_type3A, %cond3A : i32
      scf.if %cond3A_64 {
        %dma_wait3A_76 = arith.constant 0 : i32
        %dma_wait3A_77 = arith.constant 0 : i32
        %dma_wait3A_78 = tpu.memref_slice %arg9[%dma_wait3A_76, %dma_wait3A_77] : memref<20x200xi32, #tpu.memory_space<vmem>> -> memref<1x200xi32, #tpu.memory_space<vmem>>
        %dma_wait3A_79 = tpu.memref_squeeze %dma_wait3A_78 : memref<1x200xi32, #tpu.memory_space<vmem>> -> memref<200xi32, #tpu.memory_space<vmem>>
        %dma_wait3A_80 = arith.constant 0 : i32
        %dma_wait3A_81 = arith.constant 0 : i32
        %dma_wait3A_82 = tpu.memref_slice %arg7[%dma_wait3A_80, %dma_wait3A_81] : memref<10000x64xf32, #tpu.memory_space<vmem_shared>> -> memref<10000x64xf32, #tpu.memory_space<vmem_shared>>
        tpu.wait_indirect_dma semaphore(%arg21 : memref<!tpu.dma_semaphore, #tpu.memory_space<semaphore_mem>>) src(%arg13 : memref<200x64xf32, #tpu.memory_space<vmem>>) dst(%dma_wait3A_82 : memref<10000x64xf32, #tpu.memory_space<vmem_shared>>)
        %mul3A_83 = arith.constant 20 : i32
        %mul3A_84 = arith.muli %scan3A_62, %mul3A_83 : i32
        %add3A_85 = arith.constant 4 : i32
        %add3A_86 = arith.addi %mul3A_84, %add3A_85 : i32
        %sub3A = arith.constant 1 : i32
        %sub3A_87 = arith.subi %add3A_86, %sub3A : i32
        %dma_start3A_88 = arith.constant 0 : i32
        %dma_start3A_89 = tpu.memref_slice %arg8[%sub3A_87, %dma_start3A_88] : memref<100x200xi32, #tpu.memory_space<vmem>> -> memref<1x200xi32, #tpu.memory_space<vmem>>
        %dma_start3A_90 = tpu.memref_squeeze %dma_start3A_89 : memref<1x200xi32, #tpu.memory_space<vmem>> -> memref<200xi32, #tpu.memory_space<vmem>>
        %dma_start3A_91 = arith.constant 0 : i32
        %dma_start3A_92 = arith.constant 0 : i32
        %dma_start3A_93 = tpu.memref_slice %arg6[%arg0, %dma_start3A_91, %dma_start3A_92] : memref<2x10000x64xf32, #tpu.memory_space<hbm>> -> memref<1x10000x64xf32, #tpu.memory_space<hbm>>
        %dma_start3A_94 = tpu.memref_squeeze %dma_start3A_93 : memref<1x10000x64xf32, #tpu.memory_space<hbm>> -> memref<10000x64xf32, #tpu.memory_space<hbm>>
        %dma_start3A_95 = arith.constant 0 : i32
        %dma_start3A_96 = arith.constant 0 : i32
        %dma_start3A_97 = tpu.memref_slice %dma_start3A_94[%dma_start3A_95, %dma_start3A_96] : memref<10000x64xf32, #tpu.memory_space<hbm>> -> memref<10000x64xf32, #tpu.memory_space<hbm>>
        tpu.enqueue_indirect_dma source(%dma_start3A_97 : memref<10000x64xf32, #tpu.memory_space<hbm>>) target(%arg13 : memref<200x64xf32, #tpu.memory_space<vmem>>) offsets(%dma_start3A_90 : memref<200xi32, #tpu.memory_space<vmem>>) semaphore(%arg17 : memref<!tpu.dma_semaphore, #tpu.memory_space<semaphore_mem>>)
      } else {
      }
      %mul3A_65 = arith.constant 100 : i32
      %mul3A_66 = arith.muli %arg1, %mul3A_65 : i32
      %add3A = arith.constant 1600 : i32
      %add3A_67 = arith.addi %add3A, %mul3A_66 : i32
      %mul3A_68 = arith.constant 20 : i32
      %mul3A_69 = arith.muli %scan3A_62, %mul3A_68 : i32
      %add3A_70 = arith.addi %add3A_67, %mul3A_69 : i32
      "tpu.region"() ({
        %run_scoped3A = tpu.sem_alloc : memref<!tpu.dma_semaphore, #tpu.memory_space<semaphore_mem>>
        %dma_start3A_76 = arith.constant 0 : i32
        %dma_start3A_77 = tpu.memref_slice %arg3[%add3A_70, %dma_start3A_76] : memref<3200x200xi32, #tpu.memory_space<hbm>> -> memref<20x200xi32, #tpu.memory_space<hbm>>
        %dma_start3A_78 = arith.constant 0 : i32
        %dma_start3A_79 = tpu.memref_slice %arg3[%add3A_70, %dma_start3A_78] : memref<3200x200xi32, #tpu.memory_space<hbm>> -> memref<20x200xi32, #tpu.memory_space<hbm>>
        tpu.enqueue_dma source(%dma_start3A_79 : memref<20x200xi32, #tpu.memory_space<hbm>>) target(%arg9 : memref<20x200xi32, #tpu.memory_space<vmem>>) target_semaphore(%run_scoped3A : memref<!tpu.dma_semaphore, #tpu.memory_space<semaphore_mem>>)
        %dma_wait3A_80 = arith.constant 0 : i32
        %dma_wait3A_81 = tpu.memref_slice %arg3[%add3A_70, %dma_wait3A_80] : memref<3200x200xi32, #tpu.memory_space<hbm>> -> memref<20x200xi32, #tpu.memory_space<hbm>>
        %dma_wait3A_82 = arith.constant 0 : i32
        %dma_wait3A_83 = tpu.memref_slice %arg3[%add3A_70, %dma_wait3A_82] : memref<3200x200xi32, #tpu.memory_space<hbm>> -> memref<20x200xi32, #tpu.memory_space<hbm>>
        tpu.wait_dma2 semaphore(%run_scoped3A : memref<!tpu.dma_semaphore, #tpu.memory_space<semaphore_mem>>) src(%dma_wait3A_83 : memref<20x200xi32, #tpu.memory_space<hbm>>) dst(%arg9 : memref<20x200xi32, #tpu.memory_space<vmem>>)
        tpu.yield
      }) : () -> ()
      %scan3A_71 = arith.constant 0 : i32
      %scan3A_72 = arith.constant 5 : i32
      %scan3A_73 = arith.addi %scan3A_71, %scan3A_72 : i32
      %scan3A_74 = arith.constant 1 : i32
      scf.for %scan3A_76 = %scan3A_71 to %scan3A_73 step %scan3A_74  : i32 {
        %mul3A_77 = arith.constant 20 : i32
        %mul3A_78 = arith.muli %scan3A_62, %mul3A_77 : i32
        %mul3A_79 = arith.constant 4 : i32
        %mul3A_80 = arith.muli %mul3A_79, %scan3A_76 : i32
        %add3A_81 = arith.addi %mul3A_78, %mul3A_80 : i32
        %add3A_82 = arith.constant 0 : i32
        %add3A_83 = arith.addi %add3A_81, %add3A_82 : i32
        %dma_wait3A_84 = arith.constant 0 : i32
        %dma_wait3A_85 = arith.constant 0 : i32
        %dma_wait3A_86 = tpu.memref_slice %arg8[%dma_wait3A_84, %dma_wait3A_85] : memref<100x200xi32, #tpu.memory_space<vmem>> -> memref<1x200xi32, #tpu.memory_space<vmem>>
        %dma_wait3A_87 = tpu.memref_squeeze %dma_wait3A_86 : memref<1x200xi32, #tpu.memory_space<vmem>> -> memref<200xi32, #tpu.memory_space<vmem>>
        %dma_wait3A_88 = arith.constant 0 : i32
        %dma_wait3A_89 = arith.constant 0 : i32
        %dma_wait3A_90 = tpu.memref_slice %arg6[%arg0, %dma_wait3A_88, %dma_wait3A_89] : memref<2x10000x64xf32, #tpu.memory_space<hbm>> -> memref<1x10000x64xf32, #tpu.memory_space<hbm>>
        %dma_wait3A_91 = tpu.memref_squeeze %dma_wait3A_90 : memref<1x10000x64xf32, #tpu.memory_space<hbm>> -> memref<10000x64xf32, #tpu.memory_space<hbm>>
        %dma_wait3A_92 = arith.constant 0 : i32
        %dma_wait3A_93 = arith.constant 0 : i32
        %dma_wait3A_94 = tpu.memref_slice %dma_wait3A_91[%dma_wait3A_92, %dma_wait3A_93] : memref<10000x64xf32, #tpu.memory_space<hbm>> -> memref<10000x64xf32, #tpu.memory_space<hbm>>
        tpu.wait_indirect_dma semaphore(%arg14 : memref<!tpu.dma_semaphore, #tpu.memory_space<semaphore_mem>>) src(%dma_wait3A_94 : memref<10000x64xf32, #tpu.memory_space<hbm>>) dst(%arg10 : memref<200x64xf32, #tpu.memory_space<vmem>>)
        %mul3A_95 = arith.constant 4 : i32
        %mul3A_96 = arith.muli %mul3A_95, %scan3A_76 : i32
        %add3A_97 = arith.constant 0 : i32
        %add3A_98 = arith.addi %mul3A_96, %add3A_97 : i32
        %dma_start3A_99 = arith.constant 0 : i32
        %dma_start3A_100 = tpu.memref_slice %arg9[%add3A_98, %dma_start3A_99] : memref<20x200xi32, #tpu.memory_space<vmem>> -> memref<1x200xi32, #tpu.memory_space<vmem>>
        %dma_start3A_101 = tpu.memref_squeeze %dma_start3A_100 : memref<1x200xi32, #tpu.memory_space<vmem>> -> memref<200xi32, #tpu.memory_space<vmem>>
        %dma_start3A_102 = arith.constant 0 : i32
        %dma_start3A_103 = arith.constant 0 : i32
        %dma_start3A_104 = tpu.memref_slice %arg7[%dma_start3A_102, %dma_start3A_103] : memref<10000x64xf32, #tpu.memory_space<vmem_shared>> -> memref<10000x64xf32, #tpu.memory_space<vmem_shared>>
        tpu.enqueue_indirect_dma source(%arg10 : memref<200x64xf32, #tpu.memory_space<vmem>>) target(%dma_start3A_104 : memref<10000x64xf32, #tpu.memory_space<vmem_shared>>) offsets(%dma_start3A_101 : memref<200xi32, #tpu.memory_space<vmem>>) semaphore(%arg18 : memref<!tpu.dma_semaphore, #tpu.memory_space<semaphore_mem>>) {add = true}
        %gt3A_105 = arith.constant 0 : i32
        %gt3A_106 = arith.cmpi sgt, %scan3A_76, %gt3A_105 : i32
        %convert_element_type3A_107 = arith.extui %gt3A_106 : i1 to i32
        %cond3A_108 = arith.constant 0 : i32
        %cond3A_109 = arith.cmpi ne, %convert_element_type3A_107, %cond3A_108 : i32
        scf.if %cond3A_109 {
          %dma_wait3A_225 = arith.constant 0 : i32
          %dma_wait3A_226 = arith.constant 0 : i32
          %dma_wait3A_227 = tpu.memref_slice %arg9[%dma_wait3A_225, %dma_wait3A_226] : memref<20x200xi32, #tpu.memory_space<vmem>> -> memref<1x200xi32, #tpu.memory_space<vmem>>
          %dma_wait3A_228 = tpu.memref_squeeze %dma_wait3A_227 : memref<1x200xi32, #tpu.memory_space<vmem>> -> memref<200xi32, #tpu.memory_space<vmem>>
          %dma_wait3A_229 = arith.constant 0 : i32
          %dma_wait3A_230 = arith.constant 0 : i32
          %dma_wait3A_231 = tpu.memref_slice %arg7[%dma_wait3A_229, %dma_wait3A_230] : memref<10000x64xf32, #tpu.memory_space<vmem_shared>> -> memref<10000x64xf32, #tpu.memory_space<vmem_shared>>
          tpu.wait_indirect_dma semaphore(%arg21 : memref<!tpu.dma_semaphore, #tpu.memory_space<semaphore_mem>>) src(%arg13 : memref<200x64xf32, #tpu.memory_space<vmem>>) dst(%dma_wait3A_231 : memref<10000x64xf32, #tpu.memory_space<vmem_shared>>)
          %add3A_232 = arith.constant 4 : i32
          %add3A_233 = arith.addi %add3A_83, %add3A_232 : i32
          %sub3A_234 = arith.constant 1 : i32
          %sub3A_235 = arith.subi %add3A_233, %sub3A_234 : i32
          %dma_start3A_236 = arith.constant 0 : i32
          %dma_start3A_237 = tpu.memref_slice %arg8[%sub3A_235, %dma_start3A_236] : memref<100x200xi32, #tpu.memory_space<vmem>> -> memref<1x200xi32, #tpu.memory_space<vmem>>
          %dma_start3A_238 = tpu.memref_squeeze %dma_start3A_237 : memref<1x200xi32, #tpu.memory_space<vmem>> -> memref<200xi32, #tpu.memory_space<vmem>>
          %dma_start3A_239 = arith.constant 0 : i32
          %dma_start3A_240 = arith.constant 0 : i32
          %dma_start3A_241 = tpu.memref_slice %arg6[%arg0, %dma_start3A_239, %dma_start3A_240] : memref<2x10000x64xf32, #tpu.memory_space<hbm>> -> memref<1x10000x64xf32, #tpu.memory_space<hbm>>
          %dma_start3A_242 = tpu.memref_squeeze %dma_start3A_241 : memref<1x10000x64xf32, #tpu.memory_space<hbm>> -> memref<10000x64xf32, #tpu.memory_space<hbm>>
          %dma_start3A_243 = arith.constant 0 : i32
          %dma_start3A_244 = arith.constant 0 : i32
          %dma_start3A_245 = tpu.memref_slice %dma_start3A_242[%dma_start3A_243, %dma_start3A_244] : memref<10000x64xf32, #tpu.memory_space<hbm>> -> memref<10000x64xf32, #tpu.memory_space<hbm>>
          tpu.enqueue_indirect_dma source(%dma_start3A_245 : memref<10000x64xf32, #tpu.memory_space<hbm>>) target(%arg13 : memref<200x64xf32, #tpu.memory_space<vmem>>) offsets(%dma_start3A_238 : memref<200xi32, #tpu.memory_space<vmem>>) semaphore(%arg17 : memref<!tpu.dma_semaphore, #tpu.memory_space<semaphore_mem>>)
        } else {
        }
        %add3A_110 = arith.constant 1 : i32
        %add3A_111 = arith.addi %add3A_81, %add3A_110 : i32
        %dma_wait3A_112 = arith.constant 0 : i32
        %dma_wait3A_113 = arith.constant 0 : i32
        %dma_wait3A_114 = tpu.memref_slice %arg8[%dma_wait3A_112, %dma_wait3A_113] : memref<100x200xi32, #tpu.memory_space<vmem>> -> memref<1x200xi32, #tpu.memory_space<vmem>>
        %dma_wait3A_115 = tpu.memref_squeeze %dma_wait3A_114 : memref<1x200xi32, #tpu.memory_space<vmem>> -> memref<200xi32, #tpu.memory_space<vmem>>
        %dma_wait3A_116 = arith.constant 0 : i32
        %dma_wait3A_117 = arith.constant 0 : i32
        %dma_wait3A_118 = tpu.memref_slice %arg6[%arg0, %dma_wait3A_116, %dma_wait3A_117] : memref<2x10000x64xf32, #tpu.memory_space<hbm>> -> memref<1x10000x64xf32, #tpu.memory_space<hbm>>
        %dma_wait3A_119 = tpu.memref_squeeze %dma_wait3A_118 : memref<1x10000x64xf32, #tpu.memory_space<hbm>> -> memref<10000x64xf32, #tpu.memory_space<hbm>>
        %dma_wait3A_120 = arith.constant 0 : i32
        %dma_wait3A_121 = arith.constant 0 : i32
        %dma_wait3A_122 = tpu.memref_slice %dma_wait3A_119[%dma_wait3A_120, %dma_wait3A_121] : memref<10000x64xf32, #tpu.memory_space<hbm>> -> memref<10000x64xf32, #tpu.memory_space<hbm>>
        tpu.wait_indirect_dma semaphore(%arg15 : memref<!tpu.dma_semaphore, #tpu.memory_space<semaphore_mem>>) src(%dma_wait3A_122 : memref<10000x64xf32, #tpu.memory_space<hbm>>) dst(%arg11 : memref<200x64xf32, #tpu.memory_space<vmem>>)
        %mul3A_123 = arith.constant 4 : i32
        %mul3A_124 = arith.muli %mul3A_123, %scan3A_76 : i32
        %add3A_125 = arith.constant 1 : i32
        %add3A_126 = arith.addi %mul3A_124, %add3A_125 : i32
        %dma_start3A_127 = arith.constant 0 : i32
        %dma_start3A_128 = tpu.memref_slice %arg9[%add3A_126, %dma_start3A_127] : memref<20x200xi32, #tpu.memory_space<vmem>> -> memref<1x200xi32, #tpu.memory_space<vmem>>
        %dma_start3A_129 = tpu.memref_squeeze %dma_start3A_128 : memref<1x200xi32, #tpu.memory_space<vmem>> -> memref<200xi32, #tpu.memory_space<vmem>>
        %dma_start3A_130 = arith.constant 0 : i32
        %dma_start3A_131 = arith.constant 0 : i32
        %dma_start3A_132 = tpu.memref_slice %arg7[%dma_start3A_130, %dma_start3A_131] : memref<10000x64xf32, #tpu.memory_space<vmem_shared>> -> memref<10000x64xf32, #tpu.memory_space<vmem_shared>>
        tpu.enqueue_indirect_dma source(%arg11 : memref<200x64xf32, #tpu.memory_space<vmem>>) target(%dma_start3A_132 : memref<10000x64xf32, #tpu.memory_space<vmem_shared>>) offsets(%dma_start3A_129 : memref<200xi32, #tpu.memory_space<vmem>>) semaphore(%arg19 : memref<!tpu.dma_semaphore, #tpu.memory_space<semaphore_mem>>) {add = true}
        %dma_wait3A_133 = arith.constant 0 : i32
        %dma_wait3A_134 = arith.constant 0 : i32
        %dma_wait3A_135 = tpu.memref_slice %arg9[%dma_wait3A_133, %dma_wait3A_134] : memref<20x200xi32, #tpu.memory_space<vmem>> -> memref<1x200xi32, #tpu.memory_space<vmem>>
        %dma_wait3A_136 = tpu.memref_squeeze %dma_wait3A_135 : memref<1x200xi32, #tpu.memory_space<vmem>> -> memref<200xi32, #tpu.memory_space<vmem>>
        %dma_wait3A_137 = arith.constant 0 : i32
        %dma_wait3A_138 = arith.constant 0 : i32
        %dma_wait3A_139 = tpu.memref_slice %arg7[%dma_wait3A_137, %dma_wait3A_138] : memref<10000x64xf32, #tpu.memory_space<vmem_shared>> -> memref<10000x64xf32, #tpu.memory_space<vmem_shared>>
        tpu.wait_indirect_dma semaphore(%arg18 : memref<!tpu.dma_semaphore, #tpu.memory_space<semaphore_mem>>) src(%arg10 : memref<200x64xf32, #tpu.memory_space<vmem>>) dst(%dma_wait3A_139 : memref<10000x64xf32, #tpu.memory_space<vmem_shared>>)
        %add3A_140 = arith.constant 4 : i32
        %add3A_141 = arith.addi %add3A_111, %add3A_140 : i32
        %sub3A = arith.constant 1 : i32
        %sub3A_142 = arith.subi %add3A_141, %sub3A : i32
        %lt3A = arith.constant 100 : i32
        %lt3A_143 = arith.cmpi slt, %sub3A_142, %lt3A : i32
        %convert_element_type3A_144 = arith.extui %lt3A_143 : i1 to i32
        %cond3A_145 = arith.constant 0 : i32
        %cond3A_146 = arith.cmpi ne, %convert_element_type3A_144, %cond3A_145 : i32
        scf.if %cond3A_146 {
          %add3A_225 = arith.constant 4 : i32
          %add3A_226 = arith.addi %add3A_111, %add3A_225 : i32
          %sub3A_227 = arith.constant 1 : i32
          %sub3A_228 = arith.subi %add3A_226, %sub3A_227 : i32
          %dma_start3A_229 = arith.constant 0 : i32
          %dma_start3A_230 = tpu.memref_slice %arg8[%sub3A_228, %dma_start3A_229] : memref<100x200xi32, #tpu.memory_space<vmem>> -> memref<1x200xi32, #tpu.memory_space<vmem>>
          %dma_start3A_231 = tpu.memref_squeeze %dma_start3A_230 : memref<1x200xi32, #tpu.memory_space<vmem>> -> memref<200xi32, #tpu.memory_space<vmem>>
          %dma_start3A_232 = arith.constant 0 : i32
          %dma_start3A_233 = arith.constant 0 : i32
          %dma_start3A_234 = tpu.memref_slice %arg6[%arg0, %dma_start3A_232, %dma_start3A_233] : memref<2x10000x64xf32, #tpu.memory_space<hbm>> -> memref<1x10000x64xf32, #tpu.memory_space<hbm>>
          %dma_start3A_235 = tpu.memref_squeeze %dma_start3A_234 : memref<1x10000x64xf32, #tpu.memory_space<hbm>> -> memref<10000x64xf32, #tpu.memory_space<hbm>>
          %dma_start3A_236 = arith.constant 0 : i32
          %dma_start3A_237 = arith.constant 0 : i32
          %dma_start3A_238 = tpu.memref_slice %dma_start3A_235[%dma_start3A_236, %dma_start3A_237] : memref<10000x64xf32, #tpu.memory_space<hbm>> -> memref<10000x64xf32, #tpu.memory_space<hbm>>
          tpu.enqueue_indirect_dma source(%dma_start3A_238 : memref<10000x64xf32, #tpu.memory_space<hbm>>) target(%arg10 : memref<200x64xf32, #tpu.memory_space<vmem>>) offsets(%dma_start3A_231 : memref<200xi32, #tpu.memory_space<vmem>>) semaphore(%arg14 : memref<!tpu.dma_semaphore, #tpu.memory_space<semaphore_mem>>)
        } else {
        }
        %add3A_147 = arith.constant 2 : i32
        %add3A_148 = arith.addi %add3A_81, %add3A_147 : i32
        %dma_wait3A_149 = arith.constant 0 : i32
        %dma_wait3A_150 = arith.constant 0 : i32
        %dma_wait3A_151 = tpu.memref_slice %arg8[%dma_wait3A_149, %dma_wait3A_150] : memref<100x200xi32, #tpu.memory_space<vmem>> -> memref<1x200xi32, #tpu.memory_space<vmem>>
        %dma_wait3A_152 = tpu.memref_squeeze %dma_wait3A_151 : memref<1x200xi32, #tpu.memory_space<vmem>> -> memref<200xi32, #tpu.memory_space<vmem>>
        %dma_wait3A_153 = arith.constant 0 : i32
        %dma_wait3A_154 = arith.constant 0 : i32
        %dma_wait3A_155 = tpu.memref_slice %arg6[%arg0, %dma_wait3A_153, %dma_wait3A_154] : memref<2x10000x64xf32, #tpu.memory_space<hbm>> -> memref<1x10000x64xf32, #tpu.memory_space<hbm>>
        %dma_wait3A_156 = tpu.memref_squeeze %dma_wait3A_155 : memref<1x10000x64xf32, #tpu.memory_space<hbm>> -> memref<10000x64xf32, #tpu.memory_space<hbm>>
        %dma_wait3A_157 = arith.constant 0 : i32
        %dma_wait3A_158 = arith.constant 0 : i32
        %dma_wait3A_159 = tpu.memref_slice %dma_wait3A_156[%dma_wait3A_157, %dma_wait3A_158] : memref<10000x64xf32, #tpu.memory_space<hbm>> -> memref<10000x64xf32, #tpu.memory_space<hbm>>
        tpu.wait_indirect_dma semaphore(%arg16 : memref<!tpu.dma_semaphore, #tpu.memory_space<semaphore_mem>>) src(%dma_wait3A_159 : memref<10000x64xf32, #tpu.memory_space<hbm>>) dst(%arg12 : memref<200x64xf32, #tpu.memory_space<vmem>>)
        %mul3A_160 = arith.constant 4 : i32
        %mul3A_161 = arith.muli %mul3A_160, %scan3A_76 : i32
        %add3A_162 = arith.constant 2 : i32
        %add3A_163 = arith.addi %mul3A_161, %add3A_162 : i32
        %dma_start3A_164 = arith.constant 0 : i32
        %dma_start3A_165 = tpu.memref_slice %arg9[%add3A_163, %dma_start3A_164] : memref<20x200xi32, #tpu.memory_space<vmem>> -> memref<1x200xi32, #tpu.memory_space<vmem>>
        %dma_start3A_166 = tpu.memref_squeeze %dma_start3A_165 : memref<1x200xi32, #tpu.memory_space<vmem>> -> memref<200xi32, #tpu.memory_space<vmem>>
        %dma_start3A_167 = arith.constant 0 : i32
        %dma_start3A_168 = arith.constant 0 : i32
        %dma_start3A_169 = tpu.memref_slice %arg7[%dma_start3A_167, %dma_start3A_168] : memref<10000x64xf32, #tpu.memory_space<vmem_shared>> -> memref<10000x64xf32, #tpu.memory_space<vmem_shared>>
        tpu.enqueue_indirect_dma source(%arg12 : memref<200x64xf32, #tpu.memory_space<vmem>>) target(%dma_start3A_169 : memref<10000x64xf32, #tpu.memory_space<vmem_shared>>) offsets(%dma_start3A_166 : memref<200xi32, #tpu.memory_space<vmem>>) semaphore(%arg20 : memref<!tpu.dma_semaphore, #tpu.memory_space<semaphore_mem>>) {add = true}
        %dma_wait3A_170 = arith.constant 0 : i32
        %dma_wait3A_171 = arith.constant 0 : i32
        %dma_wait3A_172 = tpu.memref_slice %arg9[%dma_wait3A_170, %dma_wait3A_171] : memref<20x200xi32, #tpu.memory_space<vmem>> -> memref<1x200xi32, #tpu.memory_space<vmem>>
        %dma_wait3A_173 = tpu.memref_squeeze %dma_wait3A_172 : memref<1x200xi32, #tpu.memory_space<vmem>> -> memref<200xi32, #tpu.memory_space<vmem>>
        %dma_wait3A_174 = arith.constant 0 : i32
        %dma_wait3A_175 = arith.constant 0 : i32
        %dma_wait3A_176 = tpu.memref_slice %arg7[%dma_wait3A_174, %dma_wait3A_175] : memref<10000x64xf32, #tpu.memory_space<vmem_shared>> -> memref<10000x64xf32, #tpu.memory_space<vmem_shared>>
        tpu.wait_indirect_dma semaphore(%arg19 : memref<!tpu.dma_semaphore, #tpu.memory_space<semaphore_mem>>) src(%arg11 : memref<200x64xf32, #tpu.memory_space<vmem>>) dst(%dma_wait3A_176 : memref<10000x64xf32, #tpu.memory_space<vmem_shared>>)
        %add3A_177 = arith.constant 4 : i32
        %add3A_178 = arith.addi %add3A_148, %add3A_177 : i32
        %sub3A_179 = arith.constant 1 : i32
        %sub3A_180 = arith.subi %add3A_178, %sub3A_179 : i32
        %lt3A_181 = arith.constant 100 : i32
        %lt3A_182 = arith.cmpi slt, %sub3A_180, %lt3A_181 : i32
        %convert_element_type3A_183 = arith.extui %lt3A_182 : i1 to i32
        %cond3A_184 = arith.constant 0 : i32
        %cond3A_185 = arith.cmpi ne, %convert_element_type3A_183, %cond3A_184 : i32
        scf.if %cond3A_185 {
          %add3A_225 = arith.constant 4 : i32
          %add3A_226 = arith.addi %add3A_148, %add3A_225 : i32
          %sub3A_227 = arith.constant 1 : i32
          %sub3A_228 = arith.subi %add3A_226, %sub3A_227 : i32
          %dma_start3A_229 = arith.constant 0 : i32
          %dma_start3A_230 = tpu.memref_slice %arg8[%sub3A_228, %dma_start3A_229] : memref<100x200xi32, #tpu.memory_space<vmem>> -> memref<1x200xi32, #tpu.memory_space<vmem>>
          %dma_start3A_231 = tpu.memref_squeeze %dma_start3A_230 : memref<1x200xi32, #tpu.memory_space<vmem>> -> memref<200xi32, #tpu.memory_space<vmem>>
          %dma_start3A_232 = arith.constant 0 : i32
          %dma_start3A_233 = arith.constant 0 : i32
          %dma_start3A_234 = tpu.memref_slice %arg6[%arg0, %dma_start3A_232, %dma_start3A_233] : memref<2x10000x64xf32, #tpu.memory_space<hbm>> -> memref<1x10000x64xf32, #tpu.memory_space<hbm>>
          %dma_start3A_235 = tpu.memref_squeeze %dma_start3A_234 : memref<1x10000x64xf32, #tpu.memory_space<hbm>> -> memref<10000x64xf32, #tpu.memory_space<hbm>>
          %dma_start3A_236 = arith.constant 0 : i32
          %dma_start3A_237 = arith.constant 0 : i32
          %dma_start3A_238 = tpu.memref_slice %dma_start3A_235[%dma_start3A_236, %dma_start3A_237] : memref<10000x64xf32, #tpu.memory_space<hbm>> -> memref<10000x64xf32, #tpu.memory_space<hbm>>
          tpu.enqueue_indirect_dma source(%dma_start3A_238 : memref<10000x64xf32, #tpu.memory_space<hbm>>) target(%arg11 : memref<200x64xf32, #tpu.memory_space<vmem>>) offsets(%dma_start3A_231 : memref<200xi32, #tpu.memory_space<vmem>>) semaphore(%arg15 : memref<!tpu.dma_semaphore, #tpu.memory_space<semaphore_mem>>)
        } else {
        }
        %add3A_186 = arith.constant 3 : i32
        %add3A_187 = arith.addi %add3A_81, %add3A_186 : i32
        %dma_wait3A_188 = arith.constant 0 : i32
        %dma_wait3A_189 = arith.constant 0 : i32
        %dma_wait3A_190 = tpu.memref_slice %arg8[%dma_wait3A_188, %dma_wait3A_189] : memref<100x200xi32, #tpu.memory_space<vmem>> -> memref<1x200xi32, #tpu.memory_space<vmem>>
        %dma_wait3A_191 = tpu.memref_squeeze %dma_wait3A_190 : memref<1x200xi32, #tpu.memory_space<vmem>> -> memref<200xi32, #tpu.memory_space<vmem>>
        %dma_wait3A_192 = arith.constant 0 : i32
        %dma_wait3A_193 = arith.constant 0 : i32
        %dma_wait3A_194 = tpu.memref_slice %arg6[%arg0, %dma_wait3A_192, %dma_wait3A_193] : memref<2x10000x64xf32, #tpu.memory_space<hbm>> -> memref<1x10000x64xf32, #tpu.memory_space<hbm>>
        %dma_wait3A_195 = tpu.memref_squeeze %dma_wait3A_194 : memref<1x10000x64xf32, #tpu.memory_space<hbm>> -> memref<10000x64xf32, #tpu.memory_space<hbm>>
        %dma_wait3A_196 = arith.constant 0 : i32
        %dma_wait3A_197 = arith.constant 0 : i32
        %dma_wait3A_198 = tpu.memref_slice %dma_wait3A_195[%dma_wait3A_196, %dma_wait3A_197] : memref<10000x64xf32, #tpu.memory_space<hbm>> -> memref<10000x64xf32, #tpu.memory_space<hbm>>
        tpu.wait_indirect_dma semaphore(%arg17 : memref<!tpu.dma_semaphore, #tpu.memory_space<semaphore_mem>>) src(%dma_wait3A_198 : memref<10000x64xf32, #tpu.memory_space<hbm>>) dst(%arg13 : memref<200x64xf32, #tpu.memory_space<vmem>>)
        %mul3A_199 = arith.constant 4 : i32
        %mul3A_200 = arith.muli %mul3A_199, %scan3A_76 : i32
        %add3A_201 = arith.constant 3 : i32
        %add3A_202 = arith.addi %mul3A_200, %add3A_201 : i32
        %dma_start3A_203 = arith.constant 0 : i32
        %dma_start3A_204 = tpu.memref_slice %arg9[%add3A_202, %dma_start3A_203] : memref<20x200xi32, #tpu.memory_space<vmem>> -> memref<1x200xi32, #tpu.memory_space<vmem>>
        %dma_start3A_205 = tpu.memref_squeeze %dma_start3A_204 : memref<1x200xi32, #tpu.memory_space<vmem>> -> memref<200xi32, #tpu.memory_space<vmem>>
        %dma_start3A_206 = arith.constant 0 : i32
        %dma_start3A_207 = arith.constant 0 : i32
        %dma_start3A_208 = tpu.memref_slice %arg7[%dma_start3A_206, %dma_start3A_207] : memref<10000x64xf32, #tpu.memory_space<vmem_shared>> -> memref<10000x64xf32, #tpu.memory_space<vmem_shared>>
        tpu.enqueue_indirect_dma source(%arg13 : memref<200x64xf32, #tpu.memory_space<vmem>>) target(%dma_start3A_208 : memref<10000x64xf32, #tpu.memory_space<vmem_shared>>) offsets(%dma_start3A_205 : memref<200xi32, #tpu.memory_space<vmem>>) semaphore(%arg21 : memref<!tpu.dma_semaphore, #tpu.memory_space<semaphore_mem>>) {add = true}
        %dma_wait3A_209 = arith.constant 0 : i32
        %dma_wait3A_210 = arith.constant 0 : i32
        %dma_wait3A_211 = tpu.memref_slice %arg9[%dma_wait3A_209, %dma_wait3A_210] : memref<20x200xi32, #tpu.memory_space<vmem>> -> memref<1x200xi32, #tpu.memory_space<vmem>>
        %dma_wait3A_212 = tpu.memref_squeeze %dma_wait3A_211 : memref<1x200xi32, #tpu.memory_space<vmem>> -> memref<200xi32, #tpu.memory_space<vmem>>
        %dma_wait3A_213 = arith.constant 0 : i32
        %dma_wait3A_214 = arith.constant 0 : i32
        %dma_wait3A_215 = tpu.memref_slice %arg7[%dma_wait3A_213, %dma_wait3A_214] : memref<10000x64xf32, #tpu.memory_space<vmem_shared>> -> memref<10000x64xf32, #tpu.memory_space<vmem_shared>>
        tpu.wait_indirect_dma semaphore(%arg20 : memref<!tpu.dma_semaphore, #tpu.memory_space<semaphore_mem>>) src(%arg12 : memref<200x64xf32, #tpu.memory_space<vmem>>) dst(%dma_wait3A_215 : memref<10000x64xf32, #tpu.memory_space<vmem_shared>>)
        %add3A_216 = arith.constant 4 : i32
        %add3A_217 = arith.addi %add3A_187, %add3A_216 : i32
        %sub3A_218 = arith.constant 1 : i32
        %sub3A_219 = arith.subi %add3A_217, %sub3A_218 : i32
        %lt3A_220 = arith.constant 100 : i32
        %lt3A_221 = arith.cmpi slt, %sub3A_219, %lt3A_220 : i32
        %convert_element_type3A_222 = arith.extui %lt3A_221 : i1 to i32
        %cond3A_223 = arith.constant 0 : i32
        %cond3A_224 = arith.cmpi ne, %convert_element_type3A_222, %cond3A_223 : i32
        scf.if %cond3A_224 {
          %add3A_225 = arith.constant 4 : i32
          %add3A_226 = arith.addi %add3A_187, %add3A_225 : i32
          %sub3A_227 = arith.constant 1 : i32
          %sub3A_228 = arith.subi %add3A_226, %sub3A_227 : i32
          %dma_start3A_229 = arith.constant 0 : i32
          %dma_start3A_230 = tpu.memref_slice %arg8[%sub3A_228, %dma_start3A_229] : memref<100x200xi32, #tpu.memory_space<vmem>> -> memref<1x200xi32, #tpu.memory_space<vmem>>
          %dma_start3A_231 = tpu.memref_squeeze %dma_start3A_230 : memref<1x200xi32, #tpu.memory_space<vmem>> -> memref<200xi32, #tpu.memory_space<vmem>>
          %dma_start3A_232 = arith.constant 0 : i32
          %dma_start3A_233 = arith.constant 0 : i32
          %dma_start3A_234 = tpu.memref_slice %arg6[%arg0, %dma_start3A_232, %dma_start3A_233] : memref<2x10000x64xf32, #tpu.memory_space<hbm>> -> memref<1x10000x64xf32, #tpu.memory_space<hbm>>
          %dma_start3A_235 = tpu.memref_squeeze %dma_start3A_234 : memref<1x10000x64xf32, #tpu.memory_space<hbm>> -> memref<10000x64xf32, #tpu.memory_space<hbm>>
          %dma_start3A_236 = arith.constant 0 : i32
          %dma_start3A_237 = arith.constant 0 : i32
          %dma_start3A_238 = tpu.memref_slice %dma_start3A_235[%dma_start3A_236, %dma_start3A_237] : memref<10000x64xf32, #tpu.memory_space<hbm>> -> memref<10000x64xf32, #tpu.memory_space<hbm>>
          tpu.enqueue_indirect_dma source(%dma_start3A_238 : memref<10000x64xf32, #tpu.memory_space<hbm>>) target(%arg12 : memref<200x64xf32, #tpu.memory_space<vmem>>) offsets(%dma_start3A_231 : memref<200xi32, #tpu.memory_space<vmem>>) semaphore(%arg16 : memref<!tpu.dma_semaphore, #tpu.memory_space<semaphore_mem>>)
        } else {
        }
      }
      %scan3A_75 = arith.constant 5 : i32
    }
    %scan3A_52 = arith.constant 5 : i32
    %dma_wait3A = arith.constant 0 : i32
    %dma_wait3A_53 = arith.constant 0 : i32
    %dma_wait3A_54 = tpu.memref_slice %arg9[%dma_wait3A, %dma_wait3A_53] : memref<20x200xi32, #tpu.memory_space<vmem>> -> memref<1x200xi32, #tpu.memory_space<vmem>>
    %dma_wait3A_55 = tpu.memref_squeeze %dma_wait3A_54 : memref<1x200xi32, #tpu.memory_space<vmem>> -> memref<200xi32, #tpu.memory_space<vmem>>
    %dma_wait3A_56 = arith.constant 0 : i32
    %dma_wait3A_57 = arith.constant 0 : i32
    %dma_wait3A_58 = tpu.memref_slice %arg7[%dma_wait3A_56, %dma_wait3A_57] : memref<10000x64xf32, #tpu.memory_space<vmem_shared>> -> memref<10000x64xf32, #tpu.memory_space<vmem_shared>>
    tpu.wait_indirect_dma semaphore(%arg21 : memref<!tpu.dma_semaphore, #tpu.memory_space<semaphore_mem>>) src(%arg13 : memref<200x64xf32, #tpu.memory_space<vmem>>) dst(%dma_wait3A_58 : memref<10000x64xf32, #tpu.memory_space<vmem_shared>>)
    %barrier3A_59 = arith.constant 0 : index
    tpu.barrier barrier_id(%barrier3A_59)
    %mul3A_60 = arith.constant 64 : i32
    %mul3A_61 = arith.muli %arg0, %mul3A_60 : i32
    "tpu.region"() ({
      %run_scoped3A = tpu.sem_alloc : memref<!tpu.dma_semaphore, #tpu.memory_space<semaphore_mem>>
      %dma_start3A_62 = tpu.memref_slice %arg5[%mul3A_0, %mul3A_61] : memref<10000x128xf32, #tpu.memory_space<hbm>> -> memref<625x64xf32, #tpu.memory_space<hbm>>
      %dma_start3A_63 = arith.constant 0 : i32
      %dma_start3A_64 = tpu.memref_slice %arg7[%mul3A_0, %dma_start3A_63] : memref<10000x64xf32, #tpu.memory_space<vmem_shared>> -> memref<625x64xf32, #tpu.memory_space<vmem_shared>>
      tpu.enqueue_dma source(%dma_start3A_64 : memref<625x64xf32, #tpu.memory_space<vmem_shared>>) target(%dma_start3A_62 : memref<625x64xf32, #tpu.memory_space<hbm>>) target_semaphore(%run_scoped3A : memref<!tpu.dma_semaphore, #tpu.memory_space<semaphore_mem>>)
      %dma_wait3A_65 = tpu.memref_slice %arg5[%mul3A_0, %mul3A_61] : memref<10000x128xf32, #tpu.memory_space<hbm>> -> memref<625x64xf32, #tpu.memory_space<hbm>>
      %dma_wait3A_66 = arith.constant 0 : i32
      %dma_wait3A_67 = tpu.memref_slice %arg7[%mul3A_0, %dma_wait3A_66] : memref<10000x64xf32, #tpu.memory_space<vmem_shared>> -> memref<625x64xf32, #tpu.memory_space<vmem_shared>>
      tpu.wait_dma2 semaphore(%run_scoped3A : memref<!tpu.dma_semaphore, #tpu.memory_space<semaphore_mem>>) src(%dma_wait3A_67 : memref<625x64xf32, #tpu.memory_space<vmem_shared>>) dst(%dma_wait3A_65 : memref<625x64xf32, #tpu.memory_space<hbm>>)
      tpu.yield
    }) : () -> ()
    return
  }
}

module attributes {stable_mosaic.version = 14 : i64} {
  func.func @_tc_body(%arg0: i32, %arg1: memref<2000x128xf32, #tpu.memory_space<vmem>>, %arg2: memref<2000x128xf32, #tpu.memory_space<vmem>>, %arg3: memref<128x128xf32, #tpu.memory_space<vmem>>, %arg4: memref<128x128xf32, #tpu.memory_space<vmem>>, %arg5: memref<1x128xf32, #tpu.memory_space<vmem>>, %arg6: memref<2000x128xf32, #tpu.memory_space<vmem>>) attributes {dimension_semantics = [#tpu.dimension_semantics<arbitrary>], iteration_bounds = array<i64: 5>, scalar_prefetch = 0 : i64, scratch_operands = 0 : i64, tpu.core_type = #tpu.core_type<tc>, window_params = [{transform_indices = @transform_0, window_bounds = array<i64: 2000, 128>}, {transform_indices = @transform_1, window_bounds = array<i64: 2000, 128>}, {pipeline_mode = #tpu.pipeline_mode<synchronous>, transform_indices = @transform_2, window_bounds = array<i64: 128, 128>}, {pipeline_mode = #tpu.pipeline_mode<synchronous>, transform_indices = @transform_3, window_bounds = array<i64: 128, 128>}, {pipeline_mode = #tpu.pipeline_mode<synchronous>, transform_indices = @transform_4, window_bounds = array<i64: 1, 128>}, {transform_indices = @transform_5, window_bounds = array<i64: 2000, 128>}]} {
    %get3A = arith.constant 0 : index
    %get3A_0 = arith.constant 0 : index
    %get3A_1 = vector.load %arg1[%get3A, %get3A_0] : memref<2000x128xf32, #tpu.memory_space<vmem>>, vector<2000x128xf32>
    %get3A_2 = arith.constant 0 : index
    %get3A_3 = arith.constant 0 : index
    %get3A_4 = vector.load %arg3[%get3A_2, %get3A_3] : memref<128x128xf32, #tpu.memory_space<vmem>>, vector<128x128xf32>
    %dot_general3A = arith.constant dense<0.000000e+00> : vector<2000x128xf32>
    %dot_general3A_5 = tpu.matmul %get3A_1, %get3A_4, %dot_general3A {dimension_numbers = #tpu.dot_dimension_numbers<[1], [0], [0], [1], [0, 0, 1, 1], [], []>, transpose_lhs_hint = false} : vector<2000x128xf32>, vector<128x128xf32>, vector<2000x128xf32> -> vector<2000x128xf32>
    %get3A_6 = arith.constant 0 : index
    %get3A_7 = arith.constant 0 : index
    %get3A_8 = vector.load %arg2[%get3A_6, %get3A_7] : memref<2000x128xf32, #tpu.memory_space<vmem>>, vector<2000x128xf32>
    %get3A_9 = arith.constant 0 : index
    %get3A_10 = arith.constant 0 : index
    %get3A_11 = vector.load %arg4[%get3A_9, %get3A_10] : memref<128x128xf32, #tpu.memory_space<vmem>>, vector<128x128xf32>
    %dot_general3A_12 = arith.constant dense<0.000000e+00> : vector<2000x128xf32>
    %dot_general3A_13 = tpu.matmul %get3A_8, %get3A_11, %dot_general3A_12 {dimension_numbers = #tpu.dot_dimension_numbers<[1], [0], [0], [1], [0, 0, 1, 1], [], []>, transpose_lhs_hint = false} : vector<2000x128xf32>, vector<128x128xf32>, vector<2000x128xf32> -> vector<2000x128xf32>
    %add3A = arith.addf %dot_general3A_5, %dot_general3A_13 : vector<2000x128xf32>
    %get3A_14 = arith.constant 0 : index
    %get3A_15 = arith.constant 0 : index
    %get3A_16 = vector.load %arg5[%get3A_14, %get3A_15] : memref<1x128xf32, #tpu.memory_space<vmem>>, vector<1x128xf32>
    %add3A_17 = vector.broadcast %get3A_16 : vector<1x128xf32> to vector<2000x128xf32>
    %add3A_18 = arith.addf %add3A, %add3A_17 : vector<2000x128xf32>
    %max3A = arith.constant 0.000000e+00 : f32
    %max3A_19 = vector.broadcast %max3A : f32 to vector<2000x128xf32>
    %max3A_20 = arith.maximumf %add3A_18, %max3A_19 : vector<2000x128xf32>
    %mul3A = arith.mulf %max3A_20, %max3A_20 : vector<2000x128xf32>
    %reduce_sum3A = arith.constant dense<0.000000e+00> : vector<2000xf32>
    %reduce_sum3A_21 = vector.multi_reduction <add>, %mul3A, %reduce_sum3A [1] : vector<2000x128xf32> to vector<2000xf32>
    %broadcast_in_dim3A = vector.shape_cast %reduce_sum3A_21 : vector<2000xf32> to vector<2000x1xf32>
    %max3A_22 = arith.constant 1.000000e-24 : f32
    %max3A_23 = vector.broadcast %max3A_22 : f32 to vector<2000x1xf32>
    %max3A_24 = arith.maximumf %broadcast_in_dim3A, %max3A_23 : vector<2000x1xf32>
    %rsqrt3A = math.rsqrt %max3A_24 : vector<2000x1xf32>
    %mul3A_25 = vector.broadcast %rsqrt3A : vector<2000x1xf32> to vector<2000x128xf32>
    %mul3A_26 = arith.mulf %max3A_20, %mul3A_25 : vector<2000x128xf32>
    %swap3A = arith.constant 0 : index
    %swap3A_27 = arith.constant 0 : index
    %swap3A_28 = vector.load %arg6[%swap3A, %swap3A_27] : memref<2000x128xf32, #tpu.memory_space<vmem>>, vector<2000x128xf32>
    tpu.vector_store %arg6[%swap3A, %swap3A_27], %mul3A_26 {strides = array<i32>} : memref<2000x128xf32, #tpu.memory_space<vmem>>, vector<2000x128xf32>,
    return
  }
  func.func @transform_0(%arg0: i32) -> (i32, i32) {
    %c0_i32 = arith.constant 0 : i32
    %c0_i32_0 = arith.constant 0 : i32
    return %arg0, %c0_i32 : i32, i32
  }
  func.func @transform_1(%arg0: i32) -> (i32, i32) {
    %c0_i32 = arith.constant 0 : i32
    %c0_i32_0 = arith.constant 0 : i32
    return %arg0, %c0_i32 : i32, i32
  }
  func.func @transform_2(%arg0: i32) -> (i32, i32) {
    %c0_i32 = arith.constant 0 : i32
    %c0_i32_0 = arith.constant 0 : i32
    %c0_i32_1 = arith.constant 0 : i32
    return %c0_i32, %c0_i32_0 : i32, i32
  }
  func.func @transform_3(%arg0: i32) -> (i32, i32) {
    %c0_i32 = arith.constant 0 : i32
    %c0_i32_0 = arith.constant 0 : i32
    %c0_i32_1 = arith.constant 0 : i32
    return %c0_i32, %c0_i32_0 : i32, i32
  }
  func.func @transform_4(%arg0: i32) -> (i32, i32) {
    %c0_i32 = arith.constant 0 : i32
    %c0_i32_0 = arith.constant 0 : i32
    %c0_i32_1 = arith.constant 0 : i32
    return %c0_i32, %c0_i32_0 : i32, i32
  }
  func.func @transform_5(%arg0: i32) -> (i32, i32) {
    %c0_i32 = arith.constant 0 : i32
    %c0_i32_0 = arith.constant 0 : i32
    return %arg0, %c0_i32 : i32, i32
  }
}

</mosaic_0001>

<sc_bundles>
// kernel: kernel.4.cloned.1.call-start
scs
__scs_entry_jumppad:
0x0: {  	(pc) =	sbr.rel $0x88, $3  }
0x1: {  	(tag) =	ssettag $0x0;
	lr =	simm.s32 $0x1  }
0x2: {  	[smem:$0x3F9D] =	sst lr;
	_ =	strace $0xD0000000  }
0x3: {  	_ = 	snop  }
0x4: {  	_ = 	snop  }
0x5: {  	_ = 	snop  }
0x6: {  	_ = 	snop  }
0x7: {  	_ = 	snop  }
__scs_overlays_trampoline_lowered:
0x8: {  	[smem:$0x3FAC] =	sst s0  }
0x9: {  	[smem:$0x3FAD] =	sst s1  }
0xa: {  	[smem:$0x3FAE] =	sst s2  }
0xb: {  	[smem:$0x3FAF] =	sst s3  }
0xc: {  	[smem:$0x3FB0] =	sst s4  }
0xd: {  	[smem:$0x3FB1] =	sst s5  }
0xe: {  	[smem:$0x3FB2] =	sst s6  }
0xf: {  	[smem:$0x3FB3] =	sst s7  }
0x10: {  	[smem:$0x3FB4] =	sst s8  }
0x11: {  	[smem:$0x3FB5] =	sst s9;
	s0 =	simm.s32 @!p0 $0x0  }
0x12: {  	s1 =	sld [smem:$0x3F9B];
	s0 =	simm.s32 @p0 $0x1  }
0x13: {  	[smem:$0x3FB6] =	sst s0;
	s0 =	simm.s32 @!p1 $0x0  }
0x14: {  	s2 =	sld [smem:$0x3F9A];
	s0 =	simm.s32 @p1 $0x1  }
0x15: {  	[smem:$0x3FB7] =	sst s0;
	s0 =	simm.s32 @!p2 $0x0  }
0x16: {  	s3 =	sld [smem:$0x3FDB];
	s0 =	simm.s32 @p2 $0x1  }
0x17: {  	s4 =	simm.s32 $0x1BF5;
	[smem:$0x3FB9] =	sst s0  }
0x18: {  	s0 =	sld [smem:$0x3F9C];
	_ =	swait.ge [sflag:s4], $0x0  }
0x19: {  	s7 =	sld [smem:$0x3F9D]  }
0x1a: {  	s8 =	sadd.s32 $0xFFFFE003, lr  }
0x1b: {  	s9 =	sadd.s32 $0xFFFFFEF7, lr;
	s5 =	simm.s32 $0xFFFFFFFF;
	p2 =	slt.u32 s8, $0xFFFFF086  }
0x1c: {  	p1 =	slt.u32 s9, $0xF7A;
	s5 =	simm.s32 @!p2 $0x0  }
0x1d: {  	s5 =	simm.s32 @p1 $0x1;
	p0 =	seq.s32 s7, s2  }
0x1e: {  	s7 =	smul.u32 @!p0 $0xF7A, s2;
	p2 =	seq.s32 @!p0 s5, $0x0  }
0x1f: {  	s9 =	smul.u32 $0xF7A, s1;
	s8 =	simm.s32 @!p0 $0x1BF5;
	p2 =	por !p2, p0  }
0x20: {  	[sflag:s8] =	ssyncset.s32 @!p0 $0xFFFFF086;
	s6 =	sadd.s32 @!p0 s3, s7;
	s7 =	simm.s32 @!p0 $0x108  }
0x21: {  	s3 =	sadd.s32 s3, s9;
	s6 =	sadd.s32 @!p0 $0x88, s6;
	s7 =	simm.s32 @p2 $0x1082  }
0x22: {  	[simem:s7], [sflag:s8] =	dma.local @!p0 [hbm:s6], $0xF7A  }
0x23: {  	s9 =	sor.u32 $0xD0000000, s2;
	s6 =	simm.s32 $0x108;
	_ =	swait.ge @!p0 [sflag:s8], $0x0  }
0x24: {  	s3 =	sadd.s32 $0x88, s3;
	s6 =	simm.s32 @!p1 $0x1082;
	[sflag:s4] =	ssyncset.s32 $0xFFFFF086  }
0x25: {  	[simem:s6], [sflag:s4] =	dma.local [hbm:s3], $0xF7A  }
0x26: {  	[smem:$0x3F9D] =	sst s1;
	(tag) =	ssettag s2;
	_ =	strace s9  }
0x27: {  	s1 =	sld [smem:$0x3FAD]  }
0x28: {  	s2 =	sld [smem:$0x3FAE]  }
0x29: {  	s4 =	sld [smem:$0x3FB0]  }
0x2a: {  	p0 =	seq.s32 s5, $0x0;
	s5 =	sld [smem:$0x3FB1]  }
0x2b: {  	s6 =	sld [smem:$0x3FB2]  }
0x2c: {  	s7 =	sld [smem:$0x3FB3]  }
0x2d: {  	s3 =	simm.s32 $0x108;
	s8 =	sld [smem:$0x3FB4]  }
0x2e: {  	s3 =	simm.s32 @!p0 $0x1082;
	s9 =	sld [smem:$0x3FB5]  }
0x2f: {  	lr =	sadd.s32 s0, s3;
	s0 =	sld [smem:$0x3FAC]  }
0x30: {  	s3 =	sld [smem:$0x3FAF]  }
0x31: {  	[smem:$0x3FB8] =	sst s10  }
0x32: {  	s10 =	sld [smem:$0x3FB6];
	_ =	sdelay $0x3  }
0x33: {  	p0 =	seq.s32 s10, $0x1;
	s10 =	sld [smem:$0x3FB8];
	_ =	sdelay $0x3  }
0x34: {  	[smem:$0x3FB8] =	sst s10  }
0x35: {  	s10 =	sld [smem:$0x3FB7];
	_ =	sdelay $0x3  }
0x36: {  	p1 =	seq.s32 s10, $0x1;
	s10 =	sld [smem:$0x3FB8];
	_ =	sdelay $0x3  }
0x37: {  	[smem:$0x3FB8] =	sst s10  }
0x38: {  	s10 =	sld [smem:$0x3FB9]  }
0x39: {  	_ = 	snop;
	(pc) =	sbr.ind lr, $3  }
0x3a: {  	_ = 	snop  }
0x3b: {  	_ = 	snop  }
0x3c: {  	p2 =	seq.s32 s10, $0x1;
	s10 =	sld [smem:$0x3FB8]  }
0x3d: {  	_ =	shalt  }
0x3e: {  	_ =	shalt  }
0x3f: {  	_ =	shalt  }
0x40: {  	_ =	shalt  }
0x41: {  	_ =	shalt  }
0x42: {  	_ =	shalt  }
0x43: {  	_ =	shalt  }
0x44: {  	_ =	shalt  }
0x45: {  	_ =	shalt  }
0x46: {  	_ =	shalt  }
0x47: {  	_ =	shalt  }
0x48: {  	_ =	shalt  }
0x49: {  	_ =	shalt  }
0x4a: {  	_ =	shalt  }
0x4b: {  	_ =	shalt  }
0x4c: {  	_ =	shalt  }
0x4d: {  	_ =	shalt  }
0x4e: {  	_ =	shalt  }
0x4f: {  	_ =	shalt  }
0x50: {  	_ =	shalt  }
0x51: {  	_ =	shalt  }
0x52: {  	_ =	shalt  }
0x53: {  	_ =	shalt  }
0x54: {  	_ =	shalt  }
0x55: {  	_ =	shalt  }
0x56: {  	_ =	shalt  }
0x57: {  	_ =	shalt  }
0x58: {  	_ =	shalt  }
0x59: {  	_ =	shalt  }
0x5a: {  	_ =	shalt  }
0x5b: {  	_ =	shalt  }
0x5c: {  	_ =	shalt  }
0x5d: {  	_ =	shalt  }
0x5e: {  	_ =	shalt  }
0x5f: {  	_ =	shalt  }
0x60: {  	_ =	shalt  }
0x61: {  	_ =	shalt  }
0x62: {  	_ =	shalt  }
0x63: {  	_ =	shalt  }
0x64: {  	_ =	shalt  }
0x65: {  	_ =	shalt  }
0x66: {  	_ =	shalt  }
0x67: {  	_ =	shalt  }
0x68: {  	_ =	shalt  }
0x69: {  	_ =	shalt  }
0x6a: {  	_ =	shalt  }
0x6b: {  	_ =	shalt  }
0x6c: {  	_ =	shalt  }
0x6d: {  	_ =	shalt  }
0x6e: {  	_ =	shalt  }
0x6f: {  	_ =	shalt  }
0x70: {  	_ =	shalt  }
0x71: {  	_ =	shalt  }
0x72: {  	_ =	shalt  }
0x73: {  	_ =	shalt  }
0x74: {  	_ =	shalt  }
0x75: {  	_ =	shalt  }
0x76: {  	_ =	shalt  }
0x77: {  	_ =	shalt  }
0x78: {  	_ =	shalt  }
0x79: {  	_ =	shalt  }
0x7a: {  	_ =	shalt  }
0x7b: {  	_ =	shalt  }
0x7c: {  	_ =	shalt  }
0x7d: {  	_ =	shalt  }
0x7e: {  	_ =	shalt  }
0x7f: {  	_ =	shalt  }
0x80: {  	_ =	shalt  }
0x81: {  	_ =	shalt  }
0x82: {  	_ =	shalt  }
0x83: {  	_ =	shalt  }
0x84: {  	_ =	shalt  }
0x85: {  	_ =	shalt  }
0x86: {  	_ =	shalt  }
0x87: {  	_ =	shalt  }
.Lfunc_end0:
.L_simem_size_0:
called_computation_lowered:
.L_overlay_start_0:
0x88: {  	s2 =	sld [smem:$0x3FD9]  }
0x89: {  	s3 =	sld [smem:$0x3FFE];
	_ =	sdelay $0x1  }
0x8a: {  	s1 =	srdreg.scid  }
0x8b: {  	s0 =	sand.u32 $0x1, s1  }
0x8c: {  	s17 =	sshll.u32 s0, $0xA;
	s2 =	sadd.s32 s3, s2  }
0x8d: {  	s2 =	sadd.s32 s2, s17  }
0x8e: {  	[smem:$0x3FC4] =	sst s2  }
0x8f: {  	_ = 	snop  }
0x90: {  	s2 =	sld [smem:$0x3FC9]  }
0x91: {  	s18 =	sld [smem:$0x3FD0];
	(tm) =	ssettm $0x1  }
0x92: {  	s4 =	sld [smem:$0x3FFB];
	_ =	sdelay $0x3  }
0x93: {  	_ =	strace s4  }
0x94: {  	s4 =	sld [smem:$0x3FFC];
	_ =	sdelay $0x3  }
0x95: {  	_ =	strace s4  }
0x96: {  	s4 =	sld [smem:$0x3FFD];
	_ =	sdelay $0x3  }
0x97: {  	_ =	strace s4  }
0x98: {  	_ =	strace $0x8FFFFFFF  }
0x99: {  	s19 =	sld [smem:$0x3FDB];
	_ =	sdelay $0x1  }
0x9a: {  	s5 =	simm.s32 $_scs_section_size  }
0x9b: {  	s6 =	simm.s32 $_size__tile_overlayer_lowered;
	s7 =	simm.s32 $_tile_overlayer_lowered  }
0x9c: {  	s22 =	simm.s32 $0x1BFF;
	s21 =	sshll.u32 s7, $0x1;
	s4 =	sadd.s32 s5, s19  }
0x9d: {  	s8 =	simm.s32 $0x0;
	s20 =	sshll.u32 s6, $0x1;
	s6 =	sadd.s32 s21, s4  }
0x9e: {  	[timem:s8], [sflag:s22] =	dma.local [hbm:s6], s20  }
0x9f: {  	_ =	swait.ge [sflag:s22], s20  }
0xa0: {  	s5 =	ssub.s32 $0x0, s20;
	[sflag:s22] =	ssyncset.done $0x0  }
0xa1: {  	[sflag:s22] =	ssyncadd.s32 s5;
	_ =	sdelay $0x1  }
0xa2: {  	s23 =	simm.s32 $0x1B8B  }
0xa3: {  	_ =	swait.ge [sflag:s23], $0x1  }
0xa4: {  	[sflag:s23] =	ssyncset.done $0x0  }
0xa5: {  	s25 =	simm.s32 $0x1B8E;
	s24 =	sld [smem:$0x3FFE];
	[sflag:s23] =	ssyncadd.s32 $0xFFFFFFFF  }
0xa6: {  	s26 =	simm.s32 $execute0_lowered;
	[smem:$0x3FD2] =	sst s25  }
0xa7: {  	s6 =	sshll.u32 s26, $0x1;
	_ =	strace $0x80000046;
	[dreg:$0x1] =	wrdreg $0xFFFFFFFF  }
0xa8: {  	s28 =	simm.s32 $_size_execute0_lowered;
	s4 =	sadd.s32 s4, s6;
	[dreg:$0x0] =	wrdreg $0x0  }
0xa9: {  	s6 =	sshll.u32 s28, $0x1;
	[dreg:$0x2] =	wrdreg s4  }
0xaa: {  	[dreg:$0x3] =	wrdreg s6  }
0xab: {  	[dreg:$0x4] =	wrdreg $0xC0  }
0xac: {  	_ =	task [dreg:s8], $0x5FFFF  }
0xad: {  	[dreg:$0x1] =	wrdreg $0xFFFFFFFF  }
0xae: {  	[dreg:$0x0] =	wrdreg $0x60  }
0xaf: {  	[dreg:$0x2] =	wrdreg s2  }
0xb0: {  	[dreg:$0x3] =	wrdreg s24  }
0xb1: {  	[dreg:$0x4] =	wrdreg s18  }
0xb2: {  	[dreg:$0x5] =	wrdreg $0x0  }
0xb3: {  	[dreg:$0x6] =	wrdreg $0x9  }
0xb4: {  	_ =	task.clear_ibuf [dreg:s8], $0x7FFFF;
	_ =	strace $0x90000046  }
0xb5: {  	s29 =	simm.s32 $0x9;
	_ =	strace $0x80000048  }
0xb6: {  	_ =	swait.ge [sflag:s29], $0x1  }
0xb7: {  	[sflag:s29] =	ssyncadd.s32 $0xFFFFFFFF  }
0xb8: {  	_ =	strace $0x90000048  }
0xb9: {  	_ =	sfence  }
0xba: {  	s30 =	sld [smem:$0x0];
	_ =	sdelay $0x2  }
0xbb: {  	s31 =	sshll.u32 s1, $0xD;
	s1 =	sshrl.u32 s1, $0x2  }
0xbc: {  	s3 =	sand.u32 $0x4000, s31;
	s1 =	sadd.s32 s1, s30  }
0xbd: {  	s0 =	sor.u32 s3, s0;
	s1 =	sshll.u32 s1, $0x11  }
0xbe: {  	s0 =	sor.u32 s1, s0  }
0xbf: {  	s0 =	sadd.s32 $0x8F2B, s0  }
0xc0: {  	[sflag:s0] =	ssyncadd.remote.s32 $0x1  }
0xc1: {  	_ =	sfence.sel $0xFFFF  }
0xc2: {  	[dreg:$0x0] =	wrdreg $0xFFFFFFFF;
	(pc) =	sbr.abs _section_cstart, $3  }
0xc3: {  	[dreg:$0x1] =	wrdreg $0xFFFFFFFF  }
0xc4: {  	_ =	task.clear_ibuf [dreg:s8], $0x2FFFF;
	_ =	strace $0x9FFFFFFF  }
0xc5: {  	(tm) =	ssettm $0x7FFFFFFF  }
tec
execute0_lowered:
.L_overlay_start_1:
0x0: {  	(tag) =	ssettag $0x1  }
0x1: {  	s0 =	rddreg [dreg:$0x0]  }
0x2: {  	s1 =	rddreg [dreg:$0x1]  }
0x3: {  	s3 =	rddreg [dreg:$0x2]  }
0x4: {  	s2 =	rddreg [dreg:$0x3]  }
0x5: {  	s4 =	simm.s32 $0x0;
	s13 =	stileid.u32;
	s6 =	srdreg.scid  }
0x6: {  	s14 =	simm.s32 $0x1;
	s15 =	simm.s32 $0x8;
	s17 =	simm.s32 $0x9  }
0x7: {  	s19 =	simm.s32 $0xC8;
	s28 =	simm.s32 $0xEA60;
	s5 =	smul.u32 $0x9C40, s13  }
0x8: {  	s29 =	simm.s32 $0x2;
	s31 =	simm.s32 $0x5;
	s12 =	smul.u32 $0x13880, s13  }
0x9: {  	[smem:$0x7FF] =	sst s4;
	s4 =	sadd.s32 $0x1800, s1;
	s20 =	smul.u32 $0x64, s13  }
0xa: {  	s6 =	sand.u32 $0x1, s6;
	s21 =	sshll.u32 s13, $0x6;
	s22 =	smul.u32 $0x9C4, s13  }
0xb: {  	_ =	strace $0x80000047;
	s7 =	smul.u32 $0x13880, s6;
	s9 =	ssub.s32 $0x2, s6  }
0xc: {  	s6 =	sshll.u32 s6, $0x6;
	s13 =	sor.u32 $0x1C09, s21;
	s21 =	simm.s32 $0x4  }
0xd: {  	s8 =	sshrl.u32 s5, $0x3;
	s11 =	sshrl.u32 s9, $0x1;
	s5 =	sadd.s32 s5, s2  }
0xe: {  	s6 =	sor.u32 s6, s12;
	s24 =	sadd.s32 s4, s22;
	s22 =	simm.s32 $0x12C00  }
0xf: {  	[dreg:$0x6] =	wrdreg s13;
	s10 =	sadd.s32 s8, s1;
	s1 =	sadd.s32 s7, s1  }
0x10: {  	s9 =	ssub.s32 s9, s11;
	s6 =	sshrl.u32 s6, $0x3;
	[dreg:$0x8] =	wrdreg s24  }
0x11: {  	s24 =	simm.s32 $0x15E00;
	s0 =	sadd.s32 s0, s6;
	s7 =	sadd.s32 $0x28C00, s1  }
0x12: {  	s23 =	sadd.s32 $0x15200, s10;
	s10 =	sadd.s32 $0x640, s20;
	s25 =	sadd.s32 s3, s6  }
0x13: {  	s26 =	smax.u32 s9, $0x1;
	s6 =	sshrl.u32 s5, $0x3;
	[dreg:$0x5] =	wrdreg s0  }
0x14: {  	s9 =	simm.s32 $0x10;
	s20 =	simm.s32 $0xFA00;
	[dreg:$0x7] =	wrdreg s23  }
0x15: {  	s1 =	simm.s32 $0xEBF0;
	s3 =	simm.s32 $0x6;
	[dreg:$0x9] =	wrdreg s25  }
0x16: {  	[dreg:$0xa] =	wrdreg s26;
	s30 =	sadd.s32 s8, s7;
	s26 =	simm.s32 $0x19000  }
0x17: {  	s0 =	simm.s32 $0x3;
	s23 =	simm.s32 $0xECB8;
	[dreg:$0xb] =	wrdreg s6  }
0x18: {  	s25 =	simm.s32 $0x7;
	s8 =	simm.s32 $0x0;
	[dreg:$0xc] =	wrdreg s30  }
.LBB2_1:
0x19: {  	[dreg:$0xd] =	wrdreg s8  }
0x1a: {  	s5 =	rddreg [dreg:$0x5]  }
0x1b: {  	[spmem:s6@s15], [sflag:s13] =	dma.strided [hbm:s5@s9], $0x1388, s14, $0x8   }
0x1c: {  	_ =	swait.ge [sflag:s17], $0x1388  }
0x1d: {  	[sflag:s17] =	ssyncset.done $0x0  }
0x1e: {  	s9 =	rddreg [dreg:$0xc];
	[sflag:s17] =	ssyncadd.s32 $0xFFFFEC78  }
0x1f: {  	[hbm:s9], [sflag:s13] =	dma.local [spmem:s6], $0x1388  }
0x20: {  	_ =	swait.ge [sflag:s17], $0x1388  }
0x21: {  	[sflag:s17] =	ssyncset.done $0x0  }
0x22: {  	s11 =	rddreg [dreg:$0x7];
	[sflag:s17] =	ssyncadd.s32 $0xFFFFEC78  }
0x23: {  	[spmem:s6], [sflag:s13] =	dma.local [hbm:s11], $0x1388  }
0x24: {  	_ =	swait.ge [sflag:s17], $0x1388  }
0x25: {  	s8 =	simm.s32 $0x9C40;
	[sflag:s17] =	ssyncset.done $0x0  }
0x26: {  	s12 =	simm.s32 $0x0;
	s13 =	rddreg [dreg:$0x8];
	[sflag:s17] =	ssyncadd.s32 $0xFFFFEC78  }
0x27: {  	[tilespmem:s8], [sflag:$0x9] =	stream.linear.gather [hbm4b:s13+s12], $0x4E20, $0x38;
	[tilespmem:$0x1C200] =	vst v63  }
0x28: {  	_ =	swait.ge [sflag:s17], $0x4E20  }
0x29: {  	[sflag:s17] =	ssyncset.done $0x0  }
0x2a: {  	[sflag:s17] =	ssyncadd.s32 $0xFFFFB1E0  }
0x2b: {  	[bflag:$0x0] =	sbarrier.arrive $0xFFFF  }
0x2c: {  	[tilespmem:s20], [sflag:$0x1] =	stream.indirect.gather [hbm4b:s7+s19], $0x40, s8, s19, $0xb8;
	[tilespmem:$0x1C200] =	vst v63  }
0x2d: {  	s16 =	simm.s32 $0x9D08  }
0x2e: {  	[tilespmem:s22], [sflag:$0x2] =	stream.indirect.gather [hbm4b:s7+s19], $0x40, s16, s19, $0xb8;
	[tilespmem:$0x1C200] =	vst v63  }
0x2f: {  	s18 =	simm.s32 $0x9DD0  }
0x30: {  	[tilespmem:s24], [sflag:$0x3] =	stream.indirect.gather [hbm4b:s7+s19], $0x40, s18, s19, $0xb8;
	[tilespmem:$0x1C200] =	vst v63  }
0x31: {  	s30 =	simm.s32 $0x9E98;
	s9 =	simm.s32 $0x4;
	s11 =	simm.s32 $0x0  }
0x32: {  	[tilespmem:s26], [sflag:$0x4] =	stream.indirect.gather [hbm4b:s7+s19], $0x40, s30, s19, $0xb8;
	[tilespmem:$0x1C200] =	vst v63  }
.LBB2_2:
0x33: {  	p0 =	seq.s32 s11, $0x0;
	s13 =	smul.u32 $0x14, s11  }
0x34: {  	s6 =	simm.s32 @!p0 $0x8;
	s12 =	smul.u32 @!p0 $0x3E80, s11  }
0x35: {  	s16 =	simm.s32 @!p0 $0x19000;
	_ =	swait.ge @!p0 [sflag:s6], $0x3200;
	s5 =	sadd.s32 s13, s10  }
0x36: {  	s13 =	simm.s32 @!p0 $0xC8;
	[sflag:s6] =	ssyncset.done @!p0 $0x0;
	s12 =	sshra.s32 @!p0 s12, $0x2  }
0x37: {  	[sflag:s6] =	ssyncadd.s32 @!p0 $0xFFFFCE00;
	s6 =	sadd.s32 @!p0 $0x9E98, s12;
	s12 =	smul.u32 $0x19, s5  }
0x38: {  	[tilespmem:s16], [sflag:$0x4] =	stream.indirect.gather @!p0 [hbm4b:s7+s13], $0x40, s6, s13, $0xb8;
	[tilespmem:$0x1C200] =	vst v63  }
0x39: {  	s16 =	simm.s32 $0x0;
	s13 =	sadd.s32 s4, s12  }
0x3a: {  	[tilespmem:s28], [sflag:$0x9] =	stream.linear.gather [hbm4b:s13+s16], $0xFA0, $0x38;
	[tilespmem:$0x1C200] =	vst v63  }
0x3b: {  	_ =	swait.ge [sflag:s17], $0xFA0  }
0x3c: {  	[sflag:s17] =	ssyncset.done $0x0  }
0x3d: {  	[sflag:s17] =	ssyncadd.s32 $0xFFFFF060  }
0x3e: {  	_ =	swait.ge [sflag:s14], $0x3200  }
0x3f: {  	[sflag:s14] =	ssyncset.done $0x0  }
0x40: {  	[sflag:s14] =	ssyncadd.s32 $0xFFFFCE00  }
0x41: {  	[spmem:s2] =	stream.indirect.scatter.add.f32 [tilespmem:s20], [sflag:$0x5], $0x40, s28, s19, $0xb8;
	[tilespmem:$0x1C200] =	vst v63  }
0x42: {  	_ =	swait.ge [sflag:s29], $0x3200  }
0x43: {  	[sflag:s29] =	ssyncset.done $0x0  }
0x44: {  	s18 =	smul.u32 $0x3E80, s11;
	s5 =	simm.s32 $0xEB28;
	[sflag:s29] =	ssyncadd.s32 $0xFFFFCE00  }
0x45: {  	[spmem:s2] =	stream.indirect.scatter.add.f32 [tilespmem:s22], [sflag:$0x6], $0x40, s5, s19, $0xb8;
	[tilespmem:$0x1C200] =	vst v63  }
0x46: {  	_ =	swait.ge [sflag:s31], $0x3200  }
0x47: {  	s6 =	sshra.s32 s18, $0x2;
	[sflag:s31] =	ssyncset.done $0x0  }
0x48: {  	s30 =	sadd.s32 $0x9F60, s6;
	[sflag:s31] =	ssyncadd.s32 $0xFFFFCE00  }
0x49: {  	[tilespmem:s20], [sflag:$0x1] =	stream.indirect.gather [hbm4b:s7+s19], $0x40, s30, s19, $0xb8;
	[tilespmem:$0x1C200] =	vst v63  }
0x4a: {  	_ =	swait.ge [sflag:s0], $0x3200  }
0x4b: {  	[sflag:s0] =	ssyncset.done $0x0  }
0x4c: {  	[sflag:s0] =	ssyncadd.s32 $0xFFFFCE00  }
0x4d: {  	[spmem:s2] =	stream.indirect.scatter.add.f32 [tilespmem:s24], [sflag:$0x7], $0x40, s1, s19, $0xb8;
	[tilespmem:$0x1C200] =	vst v63  }
0x4e: {  	_ =	swait.ge [sflag:s3], $0x3200  }
0x4f: {  	[sflag:s3] =	ssyncset.done $0x0  }
0x50: {  	s5 =	sadd.s32 $0xA028, s6;
	[sflag:s3] =	ssyncadd.s32 $0xFFFFCE00  }
0x51: {  	[tilespmem:s22], [sflag:$0x2] =	stream.indirect.gather [hbm4b:s7+s19], $0x40, s5, s19, $0xb8;
	[tilespmem:$0x1C200] =	vst v63  }
0x52: {  	_ =	swait.ge [sflag:s21], $0x3200  }
0x53: {  	[sflag:s21] =	ssyncset.done $0x0  }
0x54: {  	[sflag:s21] =	ssyncadd.s32 $0xFFFFCE00  }
0x55: {  	[spmem:s2] =	stream.indirect.scatter.add.f32 [tilespmem:s26], [sflag:$0x8], $0x40, s23, s19, $0xb8;
	[tilespmem:$0x1C200] =	vst v63  }
0x56: {  	_ =	swait.ge [sflag:s25], $0x3200  }
0x57: {  	[sflag:s25] =	ssyncset.done $0x0  }
0x58: {  	s6 =	sadd.s32 $0xA0F0, s6;
	[sflag:s25] =	ssyncadd.s32 $0xFFFFCE00  }
0x59: {  	[tilespmem:s24], [sflag:$0x3] =	stream.indirect.gather [hbm4b:s7+s19], $0x40, s6, s19, $0xb8;
	[tilespmem:$0x1C200] =	vst v63  }
0x5a: {  	_ =	swait.ge [sflag:s14], $0x3200  }
0x5b: {  	[sflag:s14] =	ssyncset.done $0x0  }
0x5c: {  	s12 =	simm.s32 $0xED80;
	[sflag:s14] =	ssyncadd.s32 $0xFFFFCE00  }
0x5d: {  	[spmem:s2] =	stream.indirect.scatter.add.f32 [tilespmem:s20], [sflag:$0x5], $0x40, s12, s19, $0xb8;
	[tilespmem:$0x1C200] =	vst v63  }
0x5e: {  	_ =	swait.ge [sflag:s15], $0x3200  }
0x5f: {  	s13 =	sadd.s32 $0x0, s8;
	[sflag:s15] =	ssyncset.done $0x0  }
0x60: {  	s6 =	sadd.s32 $0x578, s13;
	[sflag:s15] =	ssyncadd.s32 $0xFFFFCE00  }
0x61: {  	[tilespmem:s26], [sflag:$0x4] =	stream.indirect.gather [hbm4b:s7+s19], $0x40, s6, s19, $0xb8;
	[tilespmem:$0x1C200] =	vst v63  }
0x62: {  	_ =	swait.ge [sflag:s29], $0x3200  }
0x63: {  	[sflag:s29] =	ssyncset.done $0x0  }
0x64: {  	s16 =	simm.s32 $0xEE48;
	[sflag:s29] =	ssyncadd.s32 $0xFFFFCE00  }
0x65: {  	[spmem:s2] =	stream.indirect.scatter.add.f32 [tilespmem:s22], [sflag:$0x6], $0x40, s16, s19, $0xb8;
	[tilespmem:$0x1C200] =	vst v63  }
0x66: {  	p0 =	sgt.u32 s9, $0x5F;
	_ =	swait.ge [sflag:s31], $0x3200  }
0x67: {  	s13 =	simm.s32 @!p0 $0xC8;
	s6 =	sadd.s32 @!p0 $0x0, s8;
	[sflag:s31] =	ssyncset.done $0x0  }
0x68: {  	s12 =	simm.s32 @!p0 $0xFA00;
	s6 =	sadd.s32 @!p0 $0x640, s6;
	[sflag:s31] =	ssyncadd.s32 $0xFFFFCE00  }
0x69: {  	[tilespmem:s12], [sflag:$0x1] =	stream.indirect.gather @!p0 [hbm4b:s7+s13], $0x40, s6, s13, $0xb8;
	[tilespmem:$0x1C200] =	vst v63  }
0x6a: {  	_ =	swait.ge [sflag:s0], $0x3200  }
0x6b: {  	[sflag:s0] =	ssyncset.done $0x0  }
0x6c: {  	s18 =	simm.s32 $0xEF10;
	[sflag:s0] =	ssyncadd.s32 $0xFFFFCE00  }
0x6d: {  	[spmem:s2] =	stream.indirect.scatter.add.f32 [tilespmem:s24], [sflag:$0x7], $0x40, s18, s19, $0xb8;
	[tilespmem:$0x1C200] =	vst v63  }
0x6e: {  	p0 =	sgt.u32 s9, $0x5E;
	_ =	swait.ge [sflag:s3], $0x3200  }
0x6f: {  	s6 =	sadd.s32 @!p0 $0x0, s8;
	s12 =	simm.s32 @!p0 $0x12C00;
	[sflag:s3] =	ssyncset.done $0x0  }
0x70: {  	s13 =	simm.s32 @!p0 $0xC8;
	s6 =	sadd.s32 @!p0 $0x708, s6;
	[sflag:s3] =	ssyncadd.s32 $0xFFFFCE00  }
0x71: {  	[tilespmem:s12], [sflag:$0x2] =	stream.indirect.gather @!p0 [hbm4b:s7+s13], $0x40, s6, s13, $0xb8;
	[tilespmem:$0x1C200] =	vst v63  }
0x72: {  	_ =	swait.ge [sflag:s21], $0x3200  }
0x73: {  	[sflag:s21] =	ssyncset.done $0x0  }
0x74: {  	p1 =	sgt.u32 s9, $0x5D;
	s30 =	simm.s32 $0xEFD8;
	[sflag:s21] =	ssyncadd.s32 $0xFFFFCE00  }
0x75: {  	[spmem:s2] =	stream.indirect.scatter.add.f32 [tilespmem:s26], [sflag:$0x8], $0x40, s30, s19, $0xb8;
	[tilespmem:$0x1C200] =	vst v63  }
0x76: {  	s16 =	simm.s32 $0xC80;
	s12 =	sadd.s32 $0x4, s9;
	_ =	swait.ge [sflag:s25], $0x3200  }
0x77: {  	s13 =	sadd.s32 @!p1 $0x0, s8;
	s6 =	simm.s32 @!p1 $0x15E00;
	[sflag:s25] =	ssyncset.done $0x0  }
0x78: {  	s18 =	sadd.s32 @!p1 $0x7D0, s13;
	s13 =	simm.s32 @!p1 $0xC8;
	[sflag:s25] =	ssyncadd.s32 $0xFFFFCE00  }
.LBB2_3:
0x79: {  	[tilespmem:s6], [sflag:$0x3] =	stream.indirect.gather @!p1 [hbm4b:s7+s13], $0x40, s18, s13, $0xb8;
	[tilespmem:$0x1C200] =	vst v63  }
0x7a: {  	s18 =	smov.u32 s16;
	s16 =	sadd.s32 $0xC80, s16;
	_ =	swait.ge [sflag:s14], $0x3200  }
0x7b: {  	s6 =	sshra.s32 s18, $0x2;
	p0 =	sne.s32 s16, $0x3200;
	[sflag:s14] =	ssyncset.done $0x0  }
0x7c: {  	s13 =	sadd.s32 $0xED80, s6;
	s5 =	sadd.s32 s6, s8;
	[sflag:s14] =	ssyncadd.s32 $0xFFFFCE00  }
0x7d: {  	[spmem:s2] =	stream.indirect.scatter.add.f32 [tilespmem:s20], [sflag:$0x5], $0x40, s13, s19, $0xb8;
	[tilespmem:$0x1C200] =	vst v63  }
0x7e: {  	_ =	swait.ge [sflag:s15], $0x3200  }
0x7f: {  	[sflag:s15] =	ssyncset.done $0x0  }
0x80: {  	s5 =	sadd.s32 $0x578, s5;
	[sflag:s15] =	ssyncadd.s32 $0xFFFFCE00  }
0x81: {  	[tilespmem:s26], [sflag:$0x4] =	stream.indirect.gather [hbm4b:s7+s19], $0x40, s5, s19, $0xb8;
	[tilespmem:$0x1C200] =	vst v63  }
0x82: {  	_ =	swait.ge [sflag:s29], $0x3200  }
0x83: {  	[sflag:s29] =	ssyncset.done $0x0  }
0x84: {  	p1 =	sgt.u32 s12, $0x5F;
	s5 =	sadd.s32 $0xEE48, s6;
	[sflag:s29] =	ssyncadd.s32 $0xFFFFCE00  }
0x85: {  	[spmem:s2] =	stream.indirect.scatter.add.f32 [tilespmem:s22], [sflag:$0x6], $0x40, s5, s19, $0xb8;
	[tilespmem:$0x1C200] =	vst v63  }
0x86: {  	s5 =	sshra.s32 @!p1 s18, $0x2;
	_ =	swait.ge [sflag:s31], $0x3200  }
0x87: {  	s13 =	simm.s32 @!p1 $0xFA00;
	s5 =	sadd.s32 @!p1 s5, s8;
	[sflag:s31] =	ssyncset.done $0x0  }
0x88: {  	s30 =	simm.s32 @!p1 $0xC8;
	s5 =	sadd.s32 @!p1 $0x640, s5;
	[sflag:s31] =	ssyncadd.s32 $0xFFFFCE00  }
0x89: {  	[tilespmem:s13], [sflag:$0x1] =	stream.indirect.gather @!p1 [hbm4b:s7+s30], $0x40, s5, s30, $0xb8;
	[tilespmem:$0x1C200] =	vst v63  }
0x8a: {  	_ =	swait.ge [sflag:s0], $0x3200  }
0x8b: {  	[sflag:s0] =	ssyncset.done $0x0  }
0x8c: {  	s5 =	sadd.s32 $0xEF10, s6;
	p1 =	sgt.u32 s12, $0x5E;
	[sflag:s0] =	ssyncadd.s32 $0xFFFFCE00  }
0x8d: {  	[spmem:s2] =	stream.indirect.scatter.add.f32 [tilespmem:s24], [sflag:$0x7], $0x40, s5, s19, $0xb8;
	[tilespmem:$0x1C200] =	vst v63  }
0x8e: {  	s5 =	sshra.s32 @!p1 s18, $0x2;
	_ =	swait.ge [sflag:s3], $0x3200  }
0x8f: {  	s13 =	simm.s32 @!p1 $0x12C00;
	s5 =	sadd.s32 @!p1 s5, s8;
	[sflag:s3] =	ssyncset.done $0x0  }
0x90: {  	s30 =	simm.s32 @!p1 $0xC8;
	s5 =	sadd.s32 @!p1 $0x708, s5;
	[sflag:s3] =	ssyncadd.s32 $0xFFFFCE00  }
0x91: {  	[tilespmem:s13], [sflag:$0x2] =	stream.indirect.gather @!p1 [hbm4b:s7+s30], $0x40, s5, s30, $0xb8;
	[tilespmem:$0x1C200] =	vst v63  }
0x92: {  	_ =	swait.ge [sflag:s21], $0x3200  }
0x93: {  	p1 =	sgt.u32 s12, $0x5D;
	[sflag:s21] =	ssyncset.done $0x0  }
.Ltmp0:
0x94: {  	s5 =	sadd.s32 $0xEFD8, s6;
	[sflag:s21] =	ssyncadd.s32 $0xFFFFCE00;
	(pc) =	sbr.rel @p0 .LBB2_3-.Ltmp0, $4  }
0x95: {  	[spmem:s2] =	stream.indirect.scatter.add.f32 [tilespmem:s26], [sflag:$0x8], $0x40, s5, s19, $0xb8;
	[tilespmem:$0x1C200] =	vst v63  }
0x96: {  	s12 =	sadd.s32 $0x4, s12;
	s5 =	sshra.s32 @!p1 s18, $0x2;
	_ =	swait.ge [sflag:s25], $0x3200  }
0x97: {  	s6 =	simm.s32 @!p1 $0x15E00;
	s5 =	sadd.s32 @!p1 s5, s8;
	[sflag:s25] =	ssyncset.done $0x0  }
0x98: {  	s13 =	simm.s32 @!p1 $0xC8;
	s18 =	sadd.s32 @!p1 $0x7D0, s5;
	[sflag:s25] =	ssyncadd.s32 $0xFFFFCE00  }
0x99: {  	s11 =	sadd.s32 $0x1, s11  }
0x9a: {  	p0 =	sne.s32 s11, $0x5  }
.Ltmp1:
0x9b: {  	_ = 	snop;
	(pc) =	sbr.rel @p0 .LBB2_2-.Ltmp1, $3  }
0x9c: {  	_ =	sdelay $0x1  }
0x9d: {  	[tilespmem:s6], [sflag:$0x3] =	stream.indirect.gather @!p1 [hbm4b:s7+s13], $0x40, s18, s13, $0xb8;
	[tilespmem:$0x1C200] =	vst v63  }
0x9e: {  	s9 =	sadd.s32 $0x14, s9;
	s8 =	sadd.s32 $0xFA0, s8  }
0x9f: {  	_ =	swait.ge [sflag:s15], $0x3200  }
0xa0: {  	[sflag:s15] =	ssyncset.done $0x0  }
0xa1: {  	[sflag:s15] =	ssyncadd.s32 $0xFFFFCE00  }
0xa2: {  	[bflag:$0x0] =	sbarrier.arrive $0xFFFF  }
0xa3: {  	s13 =	rddreg [dreg:$0x6]  }
0xa4: {  	s5 =	rddreg [dreg:$0x9]  }
0xa5: {  	s9 =	simm.s32 $0x10;
	s6 =	rddreg [dreg:$0xb]  }
0xa6: {  	[hbm:s5@s9], [sflag:s13] =	dma.strided [spmem:s6@s15], $0x1388, s14, $0x8   }
0xa7: {  	_ =	swait.ge [sflag:s17], $0x1388  }
0xa8: {  	s8 =	rddreg [dreg:$0xd]  }
0xa9: {  	s30 =	rddreg [dreg:$0xa];
	s8 =	sadd.s32 $0x1, s8  }
0xaa: {  	p0 =	sne.s32 s8, s30  }
.Ltmp2:
0xab: {  	_ = 	snop;
	(pc) =	sbr.rel @p0 .LBB2_1-.Ltmp2, $3  }
0xac: {  	_ =	sdelay $0x1  }
0xad: {  	[sflag:s17] =	ssyncset.done $0x0  }
0xae: {  	[sflag:s17] =	ssyncadd.s32 $0xFFFFEC78  }
0xaf: {  	_ =	sfence.sel $0x180000  }
0xb0: {  	[bflag:$0x0] =	sbarrier.arrive $0xFFFF  }
0xb1: {  	_ =	strace $0x90000047  }
0xb2: {  	s0 =	stileid.u32;
	[bflag:$0x2] =	sbarrier.arrive $0xFFFF  }
0xb3: {  	p0 =	sne.s32 s0, $0x0;
	s0 =	rddreg [dreg:$0x4]  }
0xb4: {  	s0 =	sadd.s32 @!p0 $0x100000, s0  }
0xb5: {  	[sflag:s0] =	ssyncadd.tile.s32 @!p0 $0x1;
	_ =	shalt  }
.Lfunc_end2:
_tile_overlayer_lowered:
.L_overlay_start_2:
0xb6: {  	(tag) =	ssettag $0x2  }
0xb7: {  	s0 =	rddreg [dreg:$0x0];
	s2 =	stileid.u32  }
0xb8: {  	s1 =	rddreg [dreg:$0x1];
	p0 =	sne.s32 s2, $0x0  }
0xb9: {  	s3 =	rddreg [dreg:$0x2];
	[bflag:$0x3] =	sbarrier.arrive $0xFFFF;
	s2 =	simm.s32 @!p0 $0x1C09  }
0xba: {  	[timem:s3], [sflag:s2] =	dma.local @!p0 [hbm:s0], s1  }
0xbb: {  	s0 =	simm.s32 @!p0 $0x9  }
0xbc: {  	_ =	swait.ge @!p0 [sflag:s0], s1  }
0xbd: {  	s1 =	ssub.s32 @!p0 $0x0, s1;
	[sflag:s0] =	ssyncset.done @!p0 $0x0  }
0xbe: {  	[sflag:s0] =	ssyncadd.s32 @!p0 s1  }
0xbf: {  	[bflag:$0x3] =	sbarrier.arrive $0xFFFF  }
0xc0: {  	_ =	shalt  }

</sc_bundles>
